<compile_context>
chip_gen: v7x
topology: tpu7x:2x2x1
jax: 0.10.2.dev20260603
libtpu: 0.0.44.dev20260713+nightly
codegen_flags: <defaults>
</compile_context>

<pallas_src>
import functools

import jax
import jax.numpy as jnp
from jax import lax
from jax.experimental import pallas as pl
from jax.experimental.pallas import tpu as pltpu
from jax.experimental.pallas import tpu_sc as plsc

_INP = 416.0
_OFF = 418.0
_THRES = 0.3
_K = 8
_L = 16
_N = 5000
_NPAD = 5120
_NW = 16
_C = _NPAD // _NW
_CI = _C // (2 * _L)
_TAIL = _N - (_NW - 1) * _C


def _clip(v):
    return jnp.minimum(jnp.maximum(v, 0.0), _INP)


def _better(v2, i2, bv, bi):
    take = (v2 > bv) | ((v2 == bv) & (i2 < bi))
    return jnp.where(take, v2, bv), jnp.where(take, i2, bi)


def _nms_body(cx_h, cy_h, w_h, h_h, sc_h, cl_h, out_h,
              cx_v, cy_v, w_v, h_v, cl_v,
              sc_c, x1_c, y1_c, x2_c, y2_c, ar_c,
              st_v, all_v, out_v,
              sh0, sh1, dsem):
    wid = lax.axis_index("s")
    base = wid * _C

    cps = [
        pltpu.async_copy(cx_h, cx_v.at[pl.ds(0, _N)], dsem),
        pltpu.async_copy(cy_h, cy_v.at[pl.ds(0, _N)], dsem),
        pltpu.async_copy(w_h, w_v.at[pl.ds(0, _N)], dsem),
        pltpu.async_copy(h_h, h_v.at[pl.ds(0, _N)], dsem),
        pltpu.async_copy(cl_h, cl_v.at[pl.ds(0, _N)], dsem),
    ]
    @pl.when(wid < _NW - 1)
    def _():
        pltpu.async_copy(sc_h.at[pl.ds(base, _C)], sc_c, dsem).wait()
    @pl.when(wid == _NW - 1)
    def _():
        pltpu.async_copy(
            sc_h.at[pl.ds((_NW - 1) * _C, _TAIL)],
            sc_c.at[pl.ds(0, _TAIL)], dsem).wait()
    for cp in cps:
        cp.wait()

    lane = lax.iota(jnp.int32, _L)
    neg2 = jnp.full((_L,), -2.0, jnp.float32)
    zero_i = jnp.zeros((_L,), jnp.int32)

    def conv_amax(i, carry):
        bv, bi = carry
        for u in range(2):
            j = 2 * i + u
            sl = pl.ds(j * _L, _L)
            gsl = pl.ds(base + j * _L, _L)
            gidx = lane + (base + j * _L)
            cx = cx_v[gsl]
            cy = cy_v[gsl]
            w = w_v[gsl]
            h = h_v[gsl]
            off = cl_v[gsl].astype(jnp.float32) * _OFF
            x1 = _clip(cx - w / 2.0) + off
            y1 = _clip(cy - h / 2.0) + off
            x2 = _clip(cx + w / 2.0) + off
            y2 = _clip(cy + h / 2.0) + off
            x1_c[sl] = x1
            y1_c[sl] = y1
            x2_c[sl] = x2
            y2_c[sl] = y2
            ar_c[sl] = (x2 - x1 + 1.0) * (y2 - y1 + 1.0)
            s = jnp.where(gidx < _N, sc_c[sl], -1.0)
            sc_c[sl] = s
            upd = s > bv
            bv = jnp.where(upd, s, bv)
            bi = jnp.where(upd, gidx, bi)
        return bv, bi

    bv, bi = lax.fori_loop(0, _CI, conv_amax, (neg2, zero_i))

    def nms_round(k, carry):
        bv, bi = carry

        st_v[pl.ds(0, _L)] = bv
        st_v[pl.ds(_L, _L)] = plsc.bitcast(bi, jnp.float32)
        even = k % 2 == 0

        @pl.when(even)
        def _():
            pltpu.sync_copy(st_v, sh0.at[pl.ds(wid * 2 * _L, 2 * _L)])
        @pl.when(jnp.logical_not(even))
        def _():
            pltpu.sync_copy(st_v, sh1.at[pl.ds(wid * 2 * _L, 2 * _L)])
        plsc.subcore_barrier()
        @pl.when(even)
        def _():
            pltpu.sync_copy(sh0, all_v)
        @pl.when(jnp.logical_not(even))
        def _():
            pltpu.sync_copy(sh1, all_v)

        def red(r, carry):
            v2 = all_v[pl.ds(r * 2 * _L, _L)]
            i2 = plsc.bitcast(all_v[pl.ds(r * 2 * _L + _L, _L)], jnp.int32)
            return _better(v2, i2, *carry)

        bv = all_v[pl.ds(0, _L)]
        bi = plsc.bitcast(all_v[pl.ds(_L, _L)], jnp.int32)
        bv, bi = lax.fori_loop(1, _NW, red, (bv, bi))
        for s in (1, 2, 4, 8):
            p = lane ^ s
            bv2 = bv.at[p].get(mode="promise_in_bounds")
            bi2 = bi.at[p].get(mode="promise_in_bounds")
            bv, bi = _better(bv2, bi2, bv, bi)
        mv = bv
        giv = bi

        gp = jnp.minimum(giv, _N - 1)
        pcx = plsc.load_gather(cx_v, [gp])
        pcy = plsc.load_gather(cy_v, [gp])
        pw = plsc.load_gather(w_v, [gp])
        ph = plsc.load_gather(h_v, [gp])
        pcl = plsc.load_gather(cl_v, [gp]).astype(jnp.float32)
        offp = pcl * _OFF
        ux1 = _clip(pcx - pw / 2.0)
        uy1 = _clip(pcy - ph / 2.0)
        ux2 = _clip(pcx + pw / 2.0)
        uy2 = _clip(pcy + ph / 2.0)
        px1 = ux1 + offp
        py1 = uy1 + offp
        px2 = ux2 + offp
        py2 = uy2 + offp
        pa = (px2 - px1 + 1.0) * (py2 - py1 + 1.0)

        row = jnp.where(lane == 0, ux1, 0.0)
        row = jnp.where(lane == 1, uy1, row)
        row = jnp.where(lane == 2, ux2, row)
        row = jnp.where(lane == 3, uy2, row)
        row = jnp.where(lane == 4, mv, row)
        row = jnp.where(lane == 5, pcl, row)
        out_v[pl.ds(k * _L, _L)] = row

        def sup_amax(i, carry):
            bv, bi = carry
            for u in range(2):
                j = 2 * i + u
                sl = pl.ds(j * _L, _L)
                x1 = x1_c[sl]
                y1 = y1_c[sl]
                x2 = x2_c[sl]
                y2 = y2_c[sl]
                a = ar_c[sl]
                ix1 = jnp.maximum(px1, x1)
                iy1 = jnp.maximum(py1, y1)
                ix2 = jnp.minimum(px2, x2)
                iy2 = jnp.minimum(py2, y2)
                inter = (jnp.maximum(ix2 - ix1 + 1.0, 0.0)
                         * jnp.maximum(iy2 - iy1 + 1.0, 0.0))
                iou = inter / (pa + a - inter + 1e-16)
                s = jnp.where(iou > _THRES, -1.0, sc_c[sl])
                sc_c[sl] = s
                upd = s > bv
                bv = jnp.where(upd, s, bv)
                bi = jnp.where(upd, lane + (base + j * _L), bi)
            return bv, bi

        return lax.fori_loop(0, _CI, sup_amax, (neg2, zero_i))

    lax.fori_loop(0, _K, nms_round, (bv, bi))

    @pl.when(wid == 0)
    def _():
        pltpu.sync_copy(out_v, out_h)


_nms_sc = functools.partial(
    pl.kernel,
    out_type=jax.ShapeDtypeStruct((_K * _L,), jnp.float32),
    mesh=plsc.VectorSubcoreMesh(
        core_axis_name="c", subcore_axis_name="s", num_cores=1),
    compiler_params=pltpu.CompilerParams(
        needs_layout_passes=False, use_tc_tiling_on_sc=False),
    scratch_types=[
        pltpu.VMEM((_NPAD,), jnp.float32),
        pltpu.VMEM((_NPAD,), jnp.float32),
        pltpu.VMEM((_NPAD,), jnp.float32),
        pltpu.VMEM((_NPAD,), jnp.float32),
        pltpu.VMEM((_NPAD,), jnp.int32),
        pltpu.VMEM((_C,), jnp.float32),
        pltpu.VMEM((_C,), jnp.float32),
        pltpu.VMEM((_C,), jnp.float32),
        pltpu.VMEM((_C,), jnp.float32),
        pltpu.VMEM((_C,), jnp.float32),
        pltpu.VMEM((_C,), jnp.float32),
        pltpu.VMEM((2 * _L,), jnp.float32),
        pltpu.VMEM((_NW * 2 * _L,), jnp.float32),
        pltpu.VMEM((_K * _L,), jnp.float32),
        pltpu.VMEM_SHARED((_NW * 2 * _L,), jnp.float32),
        pltpu.VMEM_SHARED((_NW * 2 * _L,), jnp.float32),
        pltpu.SemaphoreType.DMA,
    ],
)(_nms_body)


def kernel(boxes, scores, idxs):
    out = _nms_sc(boxes[:, 0], boxes[:, 1], boxes[:, 2], boxes[:, 3],
                  scores, idxs)
    return out.reshape(_K, _L)[:, :6]

# --- scband reference (transcript-rebuilt; emitter-appended) ---
"""Pipeline reference for scband-prediction-17386027614913 (READ-ONLY COPY).

The authoritative reference and input builder live on the scoring server;
editing this copy changes nothing except your own understanding.
"""

import jax, jax.numpy as jnp
import numpy as np

INP_DIM = 416.0
NMS_THRES = 0.3
TOP_K = 8
NUM_CLASSES = 20
N = 5000


def _xywh2xyxy(b):
    x1 = b[:, 0] - b[:, 2] / 2.0
    y1 = b[:, 1] - b[:, 3] / 2.0
    x2 = b[:, 0] + b[:, 2] / 2.0
    y2 = b[:, 1] + b[:, 3] / 2.0
    return jnp.clip(jnp.stack([x1, y1, x2, y2], axis=1), 0.0, INP_DIM)


def _iou_matrix(bx):
    x1, y1, x2, y2 = bx[:, 0], bx[:, 1], bx[:, 2], bx[:, 3]
    ix1 = jnp.maximum(x1[:, None], x1[None, :])
    iy1 = jnp.maximum(y1[:, None], y1[None, :])
    ix2 = jnp.minimum(x2[:, None], x2[None, :])
    iy2 = jnp.minimum(y2[:, None], y2[None, :])
    inter = jnp.clip(ix2 - ix1 + 1.0, 0.0) * jnp.clip(iy2 - iy1 + 1.0, 0.0)
    area = (x2 - x1 + 1.0) * (y2 - y1 + 1.0)
    return inter / (area[:, None] + area[None, :] - inter + 1e-16)


def setup_inputs(seed: int = 0):
    key = jax.random.key(seed)
    k1, k2, k3 = jax.random.split(key, 3)
    raw = jax.random.uniform(k1, (N, 4), dtype=jnp.float32)
    cx = raw[:, 0] * INP_DIM
    cy = raw[:, 1] * INP_DIM
    w = raw[:, 2] * 120.0 + 4.0
    h = raw[:, 3] * 120.0 + 4.0
    boxes = jnp.stack([cx, cy, w, h], axis=1)
    scores = jax.random.uniform(k2, (N,), dtype=jnp.float32)
    idxs = jax.random.randint(k3, (N,), 0, NUM_CLASSES, dtype=jnp.int32)
    return {"boxes": boxes, "scores": scores, "idxs": idxs}


def reference(boxes, scores, idxs):
    # xywh -> xyxy, clamp to image (as in Prediction.raw_detection)
    bxyxy = _xywh2xyxy(boxes)
    # sort in descending score order (as in non_max_suppression)
    order = jnp.argsort(-scores)
    b = bxyxy[order]
    s = scores[order]
    c = idxs[order]
    # class-aware NMS: offset boxes per class so boxes of different classes never overlap
    off = c.astype(jnp.float32) * (INP_DIM + 2.0)
    b_off = b + off[:, None]
    iou = jax.lax.stop_gradient(_iou_matrix(b_off))
    ar = jnp.arange(N)
    def body(i, keep):
        sup = (iou[i] > NMS_THRES) & (ar > i) & keep[i]
        return keep & (~sup)
    keep = jax.lax.fori_loop(0, N, body, jnp.ones((N,), dtype=bool))
    # keep_top_k: take top_k surviving detections by score
    masked = jnp.where(keep, s, -jnp.inf)
    topv, topi = jax.lax.top_k(masked, TOP_K)
    final = jnp.concatenate([b[topi], topv[:, None], c[topi].astype(jnp.float32)[:, None]], axis=1)
    return final

if __name__ == "__main__":
    import jax
    _d = setup_inputs()
    print(jax.jit(kernel)(*tuple(_d.values())))

</pallas_src>

<mosaic_0001>
#map = affine_map<(d0, d1) -> (0)>
module attributes {stable_mosaic.version = 14 : i64} {
  func.func @_nms_body(%arg0: i32, %arg1: i32, %arg2: memref<5000xf32, #tpu.memory_space<hbm>>, %arg3: memref<5000xf32, #tpu.memory_space<hbm>>, %arg4: memref<5000xf32, #tpu.memory_space<hbm>>, %arg5: memref<5000xf32, #tpu.memory_space<hbm>>, %arg6: memref<5000xf32, #tpu.memory_space<hbm>>, %arg7: memref<5000xi32, #tpu.memory_space<hbm>>, %arg8: memref<128xf32, #tpu.memory_space<hbm>>, %arg9: memref<5120xf32, #tpu.memory_space<vmem>>, %arg10: memref<5120xf32, #tpu.memory_space<vmem>>, %arg11: memref<5120xf32, #tpu.memory_space<vmem>>, %arg12: memref<5120xf32, #tpu.memory_space<vmem>>, %arg13: memref<5120xi32, #tpu.memory_space<vmem>>, %arg14: memref<320xf32, #tpu.memory_space<vmem>>, %arg15: memref<320xf32, #tpu.memory_space<vmem>>, %arg16: memref<320xf32, #tpu.memory_space<vmem>>, %arg17: memref<320xf32, #tpu.memory_space<vmem>>, %arg18: memref<320xf32, #tpu.memory_space<vmem>>, %arg19: memref<320xf32, #tpu.memory_space<vmem>>, %arg20: memref<32xf32, #tpu.memory_space<vmem>>, %arg21: memref<512xf32, #tpu.memory_space<vmem>>, %arg22: memref<128xf32, #tpu.memory_space<vmem>>, %arg23: memref<512xf32, #tpu.memory_space<vmem_shared>>, %arg24: memref<512xf32, #tpu.memory_space<vmem_shared>>, %arg25: memref<!tpu.dma_semaphore, #tpu.memory_space<semaphore_mem>>) attributes {dimension_semantics = [#tpu.dimension_semantics<core_parallel>, #tpu.dimension_semantics<subcore_parallel>], iteration_bounds = array<i64: 1, 16>, scalar_prefetch = 0 : i64, scratch_operands = 17 : i64, tpu.core_type = #tpu.core_type<sc_vector_subcore>, window_params = [{transform_indices = #map}, {transform_indices = #map}, {transform_indices = #map}, {transform_indices = #map}, {transform_indices = #map}, {transform_indices = #map}, {transform_indices = #map}]} {
    %mul3A = arith.constant 320 : i32
    %mul3A_0 = arith.muli %arg1, %mul3A : i32
    %dma_start3A = arith.constant 0 : i32
    %dma_start3A_1 = tpu.memref_slice %arg9[%dma_start3A] : memref<5120xf32, #tpu.memory_space<vmem>> -> memref<5000xf32, #tpu.memory_space<vmem>>
    %dma_start3A_2 = arith.constant 0 : i32
    %dma_start3A_3 = tpu.memref_slice %arg9[%dma_start3A_2] : memref<5120xf32, #tpu.memory_space<vmem>> -> memref<5000xf32, #tpu.memory_space<vmem>>
    tpu.enqueue_dma source(%arg2 : memref<5000xf32, #tpu.memory_space<hbm>>) target(%dma_start3A_3 : memref<5000xf32, #tpu.memory_space<vmem>>) target_semaphore(%arg25 : memref<!tpu.dma_semaphore, #tpu.memory_space<semaphore_mem>>)
    %dma_start3A_4 = arith.constant 0 : i32
    %dma_start3A_5 = tpu.memref_slice %arg10[%dma_start3A_4] : memref<5120xf32, #tpu.memory_space<vmem>> -> memref<5000xf32, #tpu.memory_space<vmem>>
    %dma_start3A_6 = arith.constant 0 : i32
    %dma_start3A_7 = tpu.memref_slice %arg10[%dma_start3A_6] : memref<5120xf32, #tpu.memory_space<vmem>> -> memref<5000xf32, #tpu.memory_space<vmem>>
    tpu.enqueue_dma source(%arg3 : memref<5000xf32, #tpu.memory_space<hbm>>) target(%dma_start3A_7 : memref<5000xf32, #tpu.memory_space<vmem>>) target_semaphore(%arg25 : memref<!tpu.dma_semaphore, #tpu.memory_space<semaphore_mem>>)
    %dma_start3A_8 = arith.constant 0 : i32
    %dma_start3A_9 = tpu.memref_slice %arg11[%dma_start3A_8] : memref<5120xf32, #tpu.memory_space<vmem>> -> memref<5000xf32, #tpu.memory_space<vmem>>
    %dma_start3A_10 = arith.constant 0 : i32
    %dma_start3A_11 = tpu.memref_slice %arg11[%dma_start3A_10] : memref<5120xf32, #tpu.memory_space<vmem>> -> memref<5000xf32, #tpu.memory_space<vmem>>
    tpu.enqueue_dma source(%arg4 : memref<5000xf32, #tpu.memory_space<hbm>>) target(%dma_start3A_11 : memref<5000xf32, #tpu.memory_space<vmem>>) target_semaphore(%arg25 : memref<!tpu.dma_semaphore, #tpu.memory_space<semaphore_mem>>)
    %dma_start3A_12 = arith.constant 0 : i32
    %dma_start3A_13 = tpu.memref_slice %arg12[%dma_start3A_12] : memref<5120xf32, #tpu.memory_space<vmem>> -> memref<5000xf32, #tpu.memory_space<vmem>>
    %dma_start3A_14 = arith.constant 0 : i32
    %dma_start3A_15 = tpu.memref_slice %arg12[%dma_start3A_14] : memref<5120xf32, #tpu.memory_space<vmem>> -> memref<5000xf32, #tpu.memory_space<vmem>>
    tpu.enqueue_dma source(%arg5 : memref<5000xf32, #tpu.memory_space<hbm>>) target(%dma_start3A_15 : memref<5000xf32, #tpu.memory_space<vmem>>) target_semaphore(%arg25 : memref<!tpu.dma_semaphore, #tpu.memory_space<semaphore_mem>>)
    %dma_start3A_16 = arith.constant 0 : i32
    %dma_start3A_17 = tpu.memref_slice %arg13[%dma_start3A_16] : memref<5120xi32, #tpu.memory_space<vmem>> -> memref<5000xi32, #tpu.memory_space<vmem>>
    %dma_start3A_18 = arith.constant 0 : i32
    %dma_start3A_19 = tpu.memref_slice %arg13[%dma_start3A_18] : memref<5120xi32, #tpu.memory_space<vmem>> -> memref<5000xi32, #tpu.memory_space<vmem>>
    tpu.enqueue_dma source(%arg7 : memref<5000xi32, #tpu.memory_space<hbm>>) target(%dma_start3A_19 : memref<5000xi32, #tpu.memory_space<vmem>>) target_semaphore(%arg25 : memref<!tpu.dma_semaphore, #tpu.memory_space<semaphore_mem>>)
    %lt3A = arith.constant 15 : i32
    %lt3A_20 = arith.cmpi slt, %arg1, %lt3A : i32
    %convert_element_type3A = arith.extui %lt3A_20 : i1 to i32
    %cond3A = arith.constant 0 : i32
    %cond3A_21 = arith.cmpi ne, %convert_element_type3A, %cond3A : i32
    scf.if %cond3A_21 {
      %dma_start3A_64 = tpu.memref_slice %arg6[%mul3A_0] : memref<5000xf32, #tpu.memory_space<hbm>> -> memref<320xf32, #tpu.memory_space<hbm>>
      %dma_start3A_65 = tpu.memref_slice %arg6[%mul3A_0] : memref<5000xf32, #tpu.memory_space<hbm>> -> memref<320xf32, #tpu.memory_space<hbm>>
      tpu.enqueue_dma source(%dma_start3A_65 : memref<320xf32, #tpu.memory_space<hbm>>) target(%arg14 : memref<320xf32, #tpu.memory_space<vmem>>) target_semaphore(%arg25 : memref<!tpu.dma_semaphore, #tpu.memory_space<semaphore_mem>>)
      %dma_wait3A_66 = tpu.memref_slice %arg6[%mul3A_0] : memref<5000xf32, #tpu.memory_space<hbm>> -> memref<320xf32, #tpu.memory_space<hbm>>
      %dma_wait3A_67 = tpu.memref_slice %arg6[%mul3A_0] : memref<5000xf32, #tpu.memory_space<hbm>> -> memref<320xf32, #tpu.memory_space<hbm>>
      tpu.wait_dma2 semaphore(%arg25 : memref<!tpu.dma_semaphore, #tpu.memory_space<semaphore_mem>>) src(%dma_wait3A_67 : memref<320xf32, #tpu.memory_space<hbm>>) dst(%arg14 : memref<320xf32, #tpu.memory_space<vmem>>)
    } else {
    }
    %eq3A = arith.constant 15 : i32
    %eq3A_22 = arith.cmpi eq, %arg1, %eq3A : i32
    %convert_element_type3A_23 = arith.extui %eq3A_22 : i1 to i32
    %cond3A_24 = arith.constant 0 : i32
    %cond3A_25 = arith.cmpi ne, %convert_element_type3A_23, %cond3A_24 : i32
    scf.if %cond3A_25 {
      %dma_start3A_64 = arith.constant 0 : i32
      %dma_start3A_65 = tpu.memref_slice %arg14[%dma_start3A_64] : memref<320xf32, #tpu.memory_space<vmem>> -> memref<200xf32, #tpu.memory_space<vmem>>
      %dma_start3A_66 = arith.constant 4800 : i32
      %dma_start3A_67 = tpu.memref_slice %arg6[%dma_start3A_66] : memref<5000xf32, #tpu.memory_space<hbm>> -> memref<200xf32, #tpu.memory_space<hbm>>
      %dma_start3A_68 = arith.constant 0 : i32
      %dma_start3A_69 = tpu.memref_slice %arg14[%dma_start3A_68] : memref<320xf32, #tpu.memory_space<vmem>> -> memref<200xf32, #tpu.memory_space<vmem>>
      %dma_start3A_70 = arith.constant 4800 : i32
      %dma_start3A_71 = tpu.memref_slice %arg6[%dma_start3A_70] : memref<5000xf32, #tpu.memory_space<hbm>> -> memref<200xf32, #tpu.memory_space<hbm>>
      tpu.enqueue_dma source(%dma_start3A_71 : memref<200xf32, #tpu.memory_space<hbm>>) target(%dma_start3A_69 : memref<200xf32, #tpu.memory_space<vmem>>) target_semaphore(%arg25 : memref<!tpu.dma_semaphore, #tpu.memory_space<semaphore_mem>>)
      %dma_wait3A_72 = arith.constant 0 : i32
      %dma_wait3A_73 = tpu.memref_slice %arg14[%dma_wait3A_72] : memref<320xf32, #tpu.memory_space<vmem>> -> memref<200xf32, #tpu.memory_space<vmem>>
      %dma_wait3A_74 = arith.constant 4800 : i32
      %dma_wait3A_75 = tpu.memref_slice %arg6[%dma_wait3A_74] : memref<5000xf32, #tpu.memory_space<hbm>> -> memref<200xf32, #tpu.memory_space<hbm>>
      %dma_wait3A_76 = arith.constant 0 : i32
      %dma_wait3A_77 = tpu.memref_slice %arg14[%dma_wait3A_76] : memref<320xf32, #tpu.memory_space<vmem>> -> memref<200xf32, #tpu.memory_space<vmem>>
      %dma_wait3A_78 = arith.constant 4800 : i32
      %dma_wait3A_79 = tpu.memref_slice %arg6[%dma_wait3A_78] : memref<5000xf32, #tpu.memory_space<hbm>> -> memref<200xf32, #tpu.memory_space<hbm>>
      tpu.wait_dma2 semaphore(%arg25 : memref<!tpu.dma_semaphore, #tpu.memory_space<semaphore_mem>>) src(%dma_wait3A_79 : memref<200xf32, #tpu.memory_space<hbm>>) dst(%dma_wait3A_77 : memref<200xf32, #tpu.memory_space<vmem>>)
    } else {
    }
    %dma_wait3A = arith.constant 0 : i32
    %dma_wait3A_26 = tpu.memref_slice %arg9[%dma_wait3A] : memref<5120xf32, #tpu.memory_space<vmem>> -> memref<5000xf32, #tpu.memory_space<vmem>>
    %dma_wait3A_27 = arith.constant 0 : i32
    %dma_wait3A_28 = tpu.memref_slice %arg9[%dma_wait3A_27] : memref<5120xf32, #tpu.memory_space<vmem>> -> memref<5000xf32, #tpu.memory_space<vmem>>
    tpu.wait_dma2 semaphore(%arg25 : memref<!tpu.dma_semaphore, #tpu.memory_space<semaphore_mem>>) src(%arg2 : memref<5000xf32, #tpu.memory_space<hbm>>) dst(%dma_wait3A_28 : memref<5000xf32, #tpu.memory_space<vmem>>)
    %dma_wait3A_29 = arith.constant 0 : i32
    %dma_wait3A_30 = tpu.memref_slice %arg10[%dma_wait3A_29] : memref<5120xf32, #tpu.memory_space<vmem>> -> memref<5000xf32, #tpu.memory_space<vmem>>
    %dma_wait3A_31 = arith.constant 0 : i32
    %dma_wait3A_32 = tpu.memref_slice %arg10[%dma_wait3A_31] : memref<5120xf32, #tpu.memory_space<vmem>> -> memref<5000xf32, #tpu.memory_space<vmem>>
    tpu.wait_dma2 semaphore(%arg25 : memref<!tpu.dma_semaphore, #tpu.memory_space<semaphore_mem>>) src(%arg3 : memref<5000xf32, #tpu.memory_space<hbm>>) dst(%dma_wait3A_32 : memref<5000xf32, #tpu.memory_space<vmem>>)
    %dma_wait3A_33 = arith.constant 0 : i32
    %dma_wait3A_34 = tpu.memref_slice %arg11[%dma_wait3A_33] : memref<5120xf32, #tpu.memory_space<vmem>> -> memref<5000xf32, #tpu.memory_space<vmem>>
    %dma_wait3A_35 = arith.constant 0 : i32
    %dma_wait3A_36 = tpu.memref_slice %arg11[%dma_wait3A_35] : memref<5120xf32, #tpu.memory_space<vmem>> -> memref<5000xf32, #tpu.memory_space<vmem>>
    tpu.wait_dma2 semaphore(%arg25 : memref<!tpu.dma_semaphore, #tpu.memory_space<semaphore_mem>>) src(%arg4 : memref<5000xf32, #tpu.memory_space<hbm>>) dst(%dma_wait3A_36 : memref<5000xf32, #tpu.memory_space<vmem>>)
    %dma_wait3A_37 = arith.constant 0 : i32
    %dma_wait3A_38 = tpu.memref_slice %arg12[%dma_wait3A_37] : memref<5120xf32, #tpu.memory_space<vmem>> -> memref<5000xf32, #tpu.memory_space<vmem>>
    %dma_wait3A_39 = arith.constant 0 : i32
    %dma_wait3A_40 = tpu.memref_slice %arg12[%dma_wait3A_39] : memref<5120xf32, #tpu.memory_space<vmem>> -> memref<5000xf32, #tpu.memory_space<vmem>>
    tpu.wait_dma2 semaphore(%arg25 : memref<!tpu.dma_semaphore, #tpu.memory_space<semaphore_mem>>) src(%arg5 : memref<5000xf32, #tpu.memory_space<hbm>>) dst(%dma_wait3A_40 : memref<5000xf32, #tpu.memory_space<vmem>>)
    %dma_wait3A_41 = arith.constant 0 : i32
    %dma_wait3A_42 = tpu.memref_slice %arg13[%dma_wait3A_41] : memref<5120xi32, #tpu.memory_space<vmem>> -> memref<5000xi32, #tpu.memory_space<vmem>>
    %dma_wait3A_43 = arith.constant 0 : i32
    %dma_wait3A_44 = tpu.memref_slice %arg13[%dma_wait3A_43] : memref<5120xi32, #tpu.memory_space<vmem>> -> memref<5000xi32, #tpu.memory_space<vmem>>
    tpu.wait_dma2 semaphore(%arg25 : memref<!tpu.dma_semaphore, #tpu.memory_space<semaphore_mem>>) src(%arg7 : memref<5000xi32, #tpu.memory_space<hbm>>) dst(%dma_wait3A_44 : memref<5000xi32, #tpu.memory_space<vmem>>)
    %iota3A = tpu.iota {dimensions = array<i32: 0>} : vector<16xi32>
    %broadcast_in_dim3A = arith.constant -2.000000e+00 : f32
    %broadcast_in_dim3A_45 = vector.broadcast %broadcast_in_dim3A : f32 to vector<16xf32>
    %broadcast_in_dim3A_46 = arith.constant 0 : i32
    %broadcast_in_dim3A_47 = vector.broadcast %broadcast_in_dim3A_46 : i32 to vector<16xi32>
    %scan3A = arith.constant 0 : i32
    %scan3A_48 = arith.constant 10 : i32
    %scan3A_49 = arith.addi %scan3A, %scan3A_48 : i32
    %scan3A_50 = arith.constant 1 : i32
    %scan3A_51:2 = scf.for %scan3A_64 = %scan3A to %scan3A_49 step %scan3A_50 iter_args(%scan3A_65 = %broadcast_in_dim3A_45, %scan3A_66 = %broadcast_in_dim3A_47) -> (vector<16xf32>, vector<16xi32>)  : i32 {
      %mul3A_67 = arith.constant 2 : i32
      %mul3A_68 = arith.muli %mul3A_67, %scan3A_64 : i32
      %add3A = arith.constant 0 : i32
      %add3A_69 = arith.addi %mul3A_68, %add3A : i32
      %mul3A_70 = arith.constant 16 : i32
      %mul3A_71 = arith.muli %add3A_69, %mul3A_70 : i32
      %mul3A_72 = arith.constant 16 : i32
      %mul3A_73 = arith.muli %add3A_69, %mul3A_72 : i32
      %add3A_74 = arith.addi %mul3A_0, %mul3A_73 : i32
      %mul3A_75 = arith.constant 16 : i32
      %mul3A_76 = arith.muli %add3A_69, %mul3A_75 : i32
      %add3A_77 = arith.addi %mul3A_0, %mul3A_76 : i32
      %add3A_78 = vector.broadcast %add3A_77 : i32 to vector<16xi32>
      %add3A_79 = arith.addi %iota3A, %add3A_78 : vector<16xi32>
      %get3A = arith.index_cast %add3A_74 : i32 to index
      %get3A_80 = tpu.vector_load %arg9[%get3A] {strides = array<i32>} : memref<5120xf32, #tpu.memory_space<vmem>>, vector<16xf32>,
      %get3A_81 = arith.index_cast %add3A_74 : i32 to index
      %get3A_82 = tpu.vector_load %arg10[%get3A_81] {strides = array<i32>} : memref<5120xf32, #tpu.memory_space<vmem>>, vector<16xf32>,
      %get3A_83 = arith.index_cast %add3A_74 : i32 to index
      %get3A_84 = tpu.vector_load %arg11[%get3A_83] {strides = array<i32>} : memref<5120xf32, #tpu.memory_space<vmem>>, vector<16xf32>,
      %get3A_85 = arith.index_cast %add3A_74 : i32 to index
      %get3A_86 = tpu.vector_load %arg12[%get3A_85] {strides = array<i32>} : memref<5120xf32, #tpu.memory_space<vmem>>, vector<16xf32>,
      %get3A_87 = arith.index_cast %add3A_74 : i32 to index
      %get3A_88 = tpu.vector_load %arg13[%get3A_87] {strides = array<i32>} : memref<5120xi32, #tpu.memory_space<vmem>>, vector<16xi32>,
      %convert_element_type3A_89 = arith.sitofp %get3A_88 : vector<16xi32> to vector<16xf32>
      %mul3A_90 = arith.constant 4.180000e+02 : f32
      %mul3A_91 = vector.broadcast %mul3A_90 : f32 to vector<16xf32>
      %mul3A_92 = arith.mulf %convert_element_type3A_89, %mul3A_91 : vector<16xf32>
      %div3A = arith.constant 2.000000e+00 : f32
      %div3A_93 = vector.broadcast %div3A : f32 to vector<16xf32>
      %div3A_94 = arith.divf %get3A_84, %div3A_93 : vector<16xf32>
      %sub3A = arith.subf %get3A_80, %div3A_94 : vector<16xf32>
      %max3A = arith.constant 0.000000e+00 : f32
      %max3A_95 = vector.broadcast %max3A : f32 to vector<16xf32>
      %max3A_96 = arith.maximumf %sub3A, %max3A_95 : vector<16xf32>
      %min3A = arith.constant 4.160000e+02 : f32
      %min3A_97 = vector.broadcast %min3A : f32 to vector<16xf32>
      %min3A_98 = arith.minimumf %max3A_96, %min3A_97 : vector<16xf32>
      %add3A_99 = arith.addf %min3A_98, %mul3A_92 : vector<16xf32>
      %div3A_100 = arith.constant 2.000000e+00 : f32
      %div3A_101 = vector.broadcast %div3A_100 : f32 to vector<16xf32>
      %div3A_102 = arith.divf %get3A_86, %div3A_101 : vector<16xf32>
      %sub3A_103 = arith.subf %get3A_82, %div3A_102 : vector<16xf32>
      %max3A_104 = arith.constant 0.000000e+00 : f32
      %max3A_105 = vector.broadcast %max3A_104 : f32 to vector<16xf32>
      %max3A_106 = arith.maximumf %sub3A_103, %max3A_105 : vector<16xf32>
      %min3A_107 = arith.constant 4.160000e+02 : f32
      %min3A_108 = vector.broadcast %min3A_107 : f32 to vector<16xf32>
      %min3A_109 = arith.minimumf %max3A_106, %min3A_108 : vector<16xf32>
      %add3A_110 = arith.addf %min3A_109, %mul3A_92 : vector<16xf32>
      %div3A_111 = arith.constant 2.000000e+00 : f32
      %div3A_112 = vector.broadcast %div3A_111 : f32 to vector<16xf32>
      %div3A_113 = arith.divf %get3A_84, %div3A_112 : vector<16xf32>
      %add3A_114 = arith.addf %get3A_80, %div3A_113 : vector<16xf32>
      %max3A_115 = arith.constant 0.000000e+00 : f32
      %max3A_116 = vector.broadcast %max3A_115 : f32 to vector<16xf32>
      %max3A_117 = arith.maximumf %add3A_114, %max3A_116 : vector<16xf32>
      %min3A_118 = arith.constant 4.160000e+02 : f32
      %min3A_119 = vector.broadcast %min3A_118 : f32 to vector<16xf32>
      %min3A_120 = arith.minimumf %max3A_117, %min3A_119 : vector<16xf32>
      %add3A_121 = arith.addf %min3A_120, %mul3A_92 : vector<16xf32>
      %div3A_122 = arith.constant 2.000000e+00 : f32
      %div3A_123 = vector.broadcast %div3A_122 : f32 to vector<16xf32>
      %div3A_124 = arith.divf %get3A_86, %div3A_123 : vector<16xf32>
      %add3A_125 = arith.addf %get3A_82, %div3A_124 : vector<16xf32>
      %max3A_126 = arith.constant 0.000000e+00 : f32
      %max3A_127 = vector.broadcast %max3A_126 : f32 to vector<16xf32>
      %max3A_128 = arith.maximumf %add3A_125, %max3A_127 : vector<16xf32>
      %min3A_129 = arith.constant 4.160000e+02 : f32
      %min3A_130 = vector.broadcast %min3A_129 : f32 to vector<16xf32>
      %min3A_131 = arith.minimumf %max3A_128, %min3A_130 : vector<16xf32>
      %add3A_132 = arith.addf %min3A_131, %mul3A_92 : vector<16xf32>
      %swap3A = arith.index_cast %mul3A_71 : i32 to index
      %swap3A_133 = tpu.vector_load %arg15[%swap3A] {strides = array<i32>} : memref<320xf32, #tpu.memory_space<vmem>>, vector<16xf32>,
      tpu.vector_store %arg15[%swap3A], %add3A_99 {strides = array<i32>} : memref<320xf32, #tpu.memory_space<vmem>>, vector<16xf32>,
      %swap3A_134 = arith.index_cast %mul3A_71 : i32 to index
      %swap3A_135 = tpu.vector_load %arg16[%swap3A_134] {strides = array<i32>} : memref<320xf32, #tpu.memory_space<vmem>>, vector<16xf32>,
      tpu.vector_store %arg16[%swap3A_134], %add3A_110 {strides = array<i32>} : memref<320xf32, #tpu.memory_space<vmem>>, vector<16xf32>,
      %swap3A_136 = arith.index_cast %mul3A_71 : i32 to index
      %swap3A_137 = tpu.vector_load %arg17[%swap3A_136] {strides = array<i32>} : memref<320xf32, #tpu.memory_space<vmem>>, vector<16xf32>,
      tpu.vector_store %arg17[%swap3A_136], %add3A_121 {strides = array<i32>} : memref<320xf32, #tpu.memory_space<vmem>>, vector<16xf32>,
      %swap3A_138 = arith.index_cast %mul3A_71 : i32 to index
      %swap3A_139 = tpu.vector_load %arg18[%swap3A_138] {strides = array<i32>} : memref<320xf32, #tpu.memory_space<vmem>>, vector<16xf32>,
      tpu.vector_store %arg18[%swap3A_138], %add3A_132 {strides = array<i32>} : memref<320xf32, #tpu.memory_space<vmem>>, vector<16xf32>,
      %sub3A_140 = arith.subf %add3A_121, %add3A_99 : vector<16xf32>
      %add3A_141 = arith.constant 1.000000e+00 : f32
      %add3A_142 = vector.broadcast %add3A_141 : f32 to vector<16xf32>
      %add3A_143 = arith.addf %sub3A_140, %add3A_142 : vector<16xf32>
      %sub3A_144 = arith.subf %add3A_132, %add3A_110 : vector<16xf32>
      %add3A_145 = arith.constant 1.000000e+00 : f32
      %add3A_146 = vector.broadcast %add3A_145 : f32 to vector<16xf32>
      %add3A_147 = arith.addf %sub3A_144, %add3A_146 : vector<16xf32>
      %mul3A_148 = arith.mulf %add3A_143, %add3A_147 : vector<16xf32>
      %swap3A_149 = arith.index_cast %mul3A_71 : i32 to index
      %swap3A_150 = tpu.vector_load %arg19[%swap3A_149] {strides = array<i32>} : memref<320xf32, #tpu.memory_space<vmem>>, vector<16xf32>,
      tpu.vector_store %arg19[%swap3A_149], %mul3A_148 {strides = array<i32>} : memref<320xf32, #tpu.memory_space<vmem>>, vector<16xf32>,
      %lt3A_151 = arith.constant 5000 : i32
      %lt3A_152 = vector.broadcast %lt3A_151 : i32 to vector<16xi32>
      %lt3A_153 = arith.cmpi slt, %add3A_79, %lt3A_152 : vector<16xi32>
      %get3A_154 = arith.index_cast %mul3A_71 : i32 to index
      %get3A_155 = tpu.vector_load %arg14[%get3A_154] {strides = array<i32>} : memref<320xf32, #tpu.memory_space<vmem>>, vector<16xf32>,
      %jit3A = arith.constant -1.000000e+00 : f32
      %broadcast_in_dim3A_156 = vector.broadcast %jit3A : f32 to vector<16xf32>
      %select_n3A = arith.select %lt3A_153, %get3A_155, %broadcast_in_dim3A_156 : vector<16xi1>, vector<16xf32>
      %swap3A_157 = arith.index_cast %mul3A_71 : i32 to index
      %swap3A_158 = tpu.vector_load %arg14[%swap3A_157] {strides = array<i32>} : memref<320xf32, #tpu.memory_space<vmem>>, vector<16xf32>,
      tpu.vector_store %arg14[%swap3A_157], %select_n3A {strides = array<i32>} : memref<320xf32, #tpu.memory_space<vmem>>, vector<16xf32>,
      %gt3A = arith.cmpf ogt, %select_n3A, %scan3A_65 : vector<16xf32>
      %select_n3A_159 = arith.select %gt3A, %select_n3A, %scan3A_65 : vector<16xi1>, vector<16xf32>
      %select_n3A_160 = arith.select %gt3A, %add3A_79, %scan3A_66 : vector<16xi1>, vector<16xi32>
      %mul3A_161 = arith.constant 2 : i32
      %mul3A_162 = arith.muli %mul3A_161, %scan3A_64 : i32
      %add3A_163 = arith.constant 1 : i32
      %add3A_164 = arith.addi %mul3A_162, %add3A_163 : i32
      %mul3A_165 = arith.constant 16 : i32
      %mul3A_166 = arith.muli %add3A_164, %mul3A_165 : i32
      %mul3A_167 = arith.constant 16 : i32
      %mul3A_168 = arith.muli %add3A_164, %mul3A_167 : i32
      %add3A_169 = arith.addi %mul3A_0, %mul3A_168 : i32
      %mul3A_170 = arith.constant 16 : i32
      %mul3A_171 = arith.muli %add3A_164, %mul3A_170 : i32
      %add3A_172 = arith.addi %mul3A_0, %mul3A_171 : i32
      %add3A_173 = vector.broadcast %add3A_172 : i32 to vector<16xi32>
      %add3A_174 = arith.addi %iota3A, %add3A_173 : vector<16xi32>
      %get3A_175 = arith.index_cast %add3A_169 : i32 to index
      %get3A_176 = tpu.vector_load %arg9[%get3A_175] {strides = array<i32>} : memref<5120xf32, #tpu.memory_space<vmem>>, vector<16xf32>,
      %get3A_177 = arith.index_cast %add3A_169 : i32 to index
      %get3A_178 = tpu.vector_load %arg10[%get3A_177] {strides = array<i32>} : memref<5120xf32, #tpu.memory_space<vmem>>, vector<16xf32>,
      %get3A_179 = arith.index_cast %add3A_169 : i32 to index
      %get3A_180 = tpu.vector_load %arg11[%get3A_179] {strides = array<i32>} : memref<5120xf32, #tpu.memory_space<vmem>>, vector<16xf32>,
      %get3A_181 = arith.index_cast %add3A_169 : i32 to index
      %get3A_182 = tpu.vector_load %arg12[%get3A_181] {strides = array<i32>} : memref<5120xf32, #tpu.memory_space<vmem>>, vector<16xf32>,
      %get3A_183 = arith.index_cast %add3A_169 : i32 to index
      %get3A_184 = tpu.vector_load %arg13[%get3A_183] {strides = array<i32>} : memref<5120xi32, #tpu.memory_space<vmem>>, vector<16xi32>,
      %convert_element_type3A_185 = arith.sitofp %get3A_184 : vector<16xi32> to vector<16xf32>
      %mul3A_186 = arith.constant 4.180000e+02 : f32
      %mul3A_187 = vector.broadcast %mul3A_186 : f32 to vector<16xf32>
      %mul3A_188 = arith.mulf %convert_element_type3A_185, %mul3A_187 : vector<16xf32>
      %div3A_189 = arith.constant 2.000000e+00 : f32
      %div3A_190 = vector.broadcast %div3A_189 : f32 to vector<16xf32>
      %div3A_191 = arith.divf %get3A_180, %div3A_190 : vector<16xf32>
      %sub3A_192 = arith.subf %get3A_176, %div3A_191 : vector<16xf32>
      %max3A_193 = arith.constant 0.000000e+00 : f32
      %max3A_194 = vector.broadcast %max3A_193 : f32 to vector<16xf32>
      %max3A_195 = arith.maximumf %sub3A_192, %max3A_194 : vector<16xf32>
      %min3A_196 = arith.constant 4.160000e+02 : f32
      %min3A_197 = vector.broadcast %min3A_196 : f32 to vector<16xf32>
      %min3A_198 = arith.minimumf %max3A_195, %min3A_197 : vector<16xf32>
      %add3A_199 = arith.addf %min3A_198, %mul3A_188 : vector<16xf32>
      %div3A_200 = arith.constant 2.000000e+00 : f32
      %div3A_201 = vector.broadcast %div3A_200 : f32 to vector<16xf32>
      %div3A_202 = arith.divf %get3A_182, %div3A_201 : vector<16xf32>
      %sub3A_203 = arith.subf %get3A_178, %div3A_202 : vector<16xf32>
      %max3A_204 = arith.constant 0.000000e+00 : f32
      %max3A_205 = vector.broadcast %max3A_204 : f32 to vector<16xf32>
      %max3A_206 = arith.maximumf %sub3A_203, %max3A_205 : vector<16xf32>
      %min3A_207 = arith.constant 4.160000e+02 : f32
      %min3A_208 = vector.broadcast %min3A_207 : f32 to vector<16xf32>
      %min3A_209 = arith.minimumf %max3A_206, %min3A_208 : vector<16xf32>
      %add3A_210 = arith.addf %min3A_209, %mul3A_188 : vector<16xf32>
      %div3A_211 = arith.constant 2.000000e+00 : f32
      %div3A_212 = vector.broadcast %div3A_211 : f32 to vector<16xf32>
      %div3A_213 = arith.divf %get3A_180, %div3A_212 : vector<16xf32>
      %add3A_214 = arith.addf %get3A_176, %div3A_213 : vector<16xf32>
      %max3A_215 = arith.constant 0.000000e+00 : f32
      %max3A_216 = vector.broadcast %max3A_215 : f32 to vector<16xf32>
      %max3A_217 = arith.maximumf %add3A_214, %max3A_216 : vector<16xf32>
      %min3A_218 = arith.constant 4.160000e+02 : f32
      %min3A_219 = vector.broadcast %min3A_218 : f32 to vector<16xf32>
      %min3A_220 = arith.minimumf %max3A_217, %min3A_219 : vector<16xf32>
      %add3A_221 = arith.addf %min3A_220, %mul3A_188 : vector<16xf32>
      %div3A_222 = arith.constant 2.000000e+00 : f32
      %div3A_223 = vector.broadcast %div3A_222 : f32 to vector<16xf32>
      %div3A_224 = arith.divf %get3A_182, %div3A_223 : vector<16xf32>
      %add3A_225 = arith.addf %get3A_178, %div3A_224 : vector<16xf32>
      %max3A_226 = arith.constant 0.000000e+00 : f32
      %max3A_227 = vector.broadcast %max3A_226 : f32 to vector<16xf32>
      %max3A_228 = arith.maximumf %add3A_225, %max3A_227 : vector<16xf32>
      %min3A_229 = arith.constant 4.160000e+02 : f32
      %min3A_230 = vector.broadcast %min3A_229 : f32 to vector<16xf32>
      %min3A_231 = arith.minimumf %max3A_228, %min3A_230 : vector<16xf32>
      %add3A_232 = arith.addf %min3A_231, %mul3A_188 : vector<16xf32>
      %swap3A_233 = arith.index_cast %mul3A_166 : i32 to index
      %swap3A_234 = tpu.vector_load %arg15[%swap3A_233] {strides = array<i32>} : memref<320xf32, #tpu.memory_space<vmem>>, vector<16xf32>,
      tpu.vector_store %arg15[%swap3A_233], %add3A_199 {strides = array<i32>} : memref<320xf32, #tpu.memory_space<vmem>>, vector<16xf32>,
      %swap3A_235 = arith.index_cast %mul3A_166 : i32 to index
      %swap3A_236 = tpu.vector_load %arg16[%swap3A_235] {strides = array<i32>} : memref<320xf32, #tpu.memory_space<vmem>>, vector<16xf32>,
      tpu.vector_store %arg16[%swap3A_235], %add3A_210 {strides = array<i32>} : memref<320xf32, #tpu.memory_space<vmem>>, vector<16xf32>,
      %swap3A_237 = arith.index_cast %mul3A_166 : i32 to index
      %swap3A_238 = tpu.vector_load %arg17[%swap3A_237] {strides = array<i32>} : memref<320xf32, #tpu.memory_space<vmem>>, vector<16xf32>,
      tpu.vector_store %arg17[%swap3A_237], %add3A_221 {strides = array<i32>} : memref<320xf32, #tpu.memory_space<vmem>>, vector<16xf32>,
      %swap3A_239 = arith.index_cast %mul3A_166 : i32 to index
      %swap3A_240 = tpu.vector_load %arg18[%swap3A_239] {strides = array<i32>} : memref<320xf32, #tpu.memory_space<vmem>>, vector<16xf32>,
      tpu.vector_store %arg18[%swap3A_239], %add3A_232 {strides = array<i32>} : memref<320xf32, #tpu.memory_space<vmem>>, vector<16xf32>,
      %sub3A_241 = arith.subf %add3A_221, %add3A_199 : vector<16xf32>
      %add3A_242 = arith.constant 1.000000e+00 : f32
      %add3A_243 = vector.broadcast %add3A_242 : f32 to vector<16xf32>
      %add3A_244 = arith.addf %sub3A_241, %add3A_243 : vector<16xf32>
      %sub3A_245 = arith.subf %add3A_232, %add3A_210 : vector<16xf32>
      %add3A_246 = arith.constant 1.000000e+00 : f32
      %add3A_247 = vector.broadcast %add3A_246 : f32 to vector<16xf32>
      %add3A_248 = arith.addf %sub3A_245, %add3A_247 : vector<16xf32>
      %mul3A_249 = arith.mulf %add3A_244, %add3A_248 : vector<16xf32>
      %swap3A_250 = arith.index_cast %mul3A_166 : i32 to index
      %swap3A_251 = tpu.vector_load %arg19[%swap3A_250] {strides = array<i32>} : memref<320xf32, #tpu.memory_space<vmem>>, vector<16xf32>,
      tpu.vector_store %arg19[%swap3A_250], %mul3A_249 {strides = array<i32>} : memref<320xf32, #tpu.memory_space<vmem>>, vector<16xf32>,
      %lt3A_252 = arith.constant 5000 : i32
      %lt3A_253 = vector.broadcast %lt3A_252 : i32 to vector<16xi32>
      %lt3A_254 = arith.cmpi slt, %add3A_174, %lt3A_253 : vector<16xi32>
      %get3A_255 = arith.index_cast %mul3A_166 : i32 to index
      %get3A_256 = tpu.vector_load %arg14[%get3A_255] {strides = array<i32>} : memref<320xf32, #tpu.memory_space<vmem>>, vector<16xf32>,
      %jit3A_257 = arith.constant -1.000000e+00 : f32
      %broadcast_in_dim3A_258 = vector.broadcast %jit3A_257 : f32 to vector<16xf32>
      %select_n3A_259 = arith.select %lt3A_254, %get3A_256, %broadcast_in_dim3A_258 : vector<16xi1>, vector<16xf32>
      %swap3A_260 = arith.index_cast %mul3A_166 : i32 to index
      %swap3A_261 = tpu.vector_load %arg14[%swap3A_260] {strides = array<i32>} : memref<320xf32, #tpu.memory_space<vmem>>, vector<16xf32>,
      tpu.vector_store %arg14[%swap3A_260], %select_n3A_259 {strides = array<i32>} : memref<320xf32, #tpu.memory_space<vmem>>, vector<16xf32>,
      %gt3A_262 = arith.cmpf ogt, %select_n3A_259, %select_n3A_159 : vector<16xf32>
      %select_n3A_263 = arith.select %gt3A_262, %select_n3A_259, %select_n3A_159 : vector<16xi1>, vector<16xf32>
      %select_n3A_264 = arith.select %gt3A_262, %add3A_174, %select_n3A_160 : vector<16xi1>, vector<16xi32>
      scf.yield %select_n3A_263, %select_n3A_264 : vector<16xf32>, vector<16xi32>
    }
    %scan3A_52 = arith.constant 10 : i32
    %scan3A_53 = arith.constant 0 : i32
    %scan3A_54 = arith.constant 8 : i32
    %scan3A_55 = arith.addi %scan3A_53, %scan3A_54 : i32
    %scan3A_56 = arith.constant 1 : i32
    %scan3A_57:2 = scf.for %scan3A_64 = %scan3A_53 to %scan3A_55 step %scan3A_56 iter_args(%scan3A_65 = %scan3A_51#0, %scan3A_66 = %scan3A_51#1) -> (vector<16xf32>, vector<16xi32>)  : i32 {
      %swap3A = arith.constant 0 : index
      %swap3A_67 = tpu.vector_load %arg20[%swap3A] {strides = array<i32>} : memref<32xf32, #tpu.memory_space<vmem>>, vector<16xf32>,
      tpu.vector_store %arg20[%swap3A], %scan3A_65 {strides = array<i32>} : memref<32xf32, #tpu.memory_space<vmem>>, vector<16xf32>,
      %bitcast3A = vector.bitcast %scan3A_66 : vector<16xi32> to vector<16xf32>
      %swap3A_68 = arith.constant 16 : index
      %swap3A_69 = tpu.vector_load %arg20[%swap3A_68] {strides = array<i32>} : memref<32xf32, #tpu.memory_space<vmem>>, vector<16xf32>,
      tpu.vector_store %arg20[%swap3A_68], %bitcast3A {strides = array<i32>} : memref<32xf32, #tpu.memory_space<vmem>>, vector<16xf32>,
      %jit3A = arith.constant 2 : i32
      %eq3A_70 = arith.constant 0 : i32
      %eq3A_71 = arith.cmpi eq, %jit3A, %eq3A_70 : i32
      %jit3A_72 = arith.constant 1 : i32
      %select_n3A = arith.select %eq3A_71, %jit3A_72, %jit3A : i32
      %rem3A = arith.remsi %scan3A_64, %select_n3A : i32
      %ne3A = arith.constant 0 : i32
      %ne3A_73 = arith.cmpi ne, %rem3A, %ne3A : i32
      %lt3A_74 = arith.constant 0 : i32
      %lt3A_75 = arith.cmpi slt, %rem3A, %lt3A_74 : i32
      %lt3A_76 = arith.constant 0 : i32
      %lt3A_77 = arith.cmpi slt, %select_n3A, %lt3A_76 : i32
      %ne3A_78 = arith.xori %lt3A_75, %lt3A_77 : i1
      %and3A = arith.andi %ne3A_78, %ne3A_73 : i1
      %add3A = arith.addi %rem3A, %select_n3A : i32
      %select_n3A_79 = arith.select %and3A, %add3A, %rem3A : i32
      %eq3A_80 = arith.constant 0 : i32
      %eq3A_81 = arith.cmpi eq, %select_n3A_79, %eq3A_80 : i32
      %convert_element_type3A_82 = arith.extui %eq3A_81 : i1 to i32
      %cond3A_83 = arith.constant 0 : i32
      %cond3A_84 = arith.cmpi ne, %convert_element_type3A_82, %cond3A_83 : i32
      scf.if %cond3A_84 {
        %mul3A_320 = arith.constant 2 : i32
        %mul3A_321 = arith.muli %arg1, %mul3A_320 : i32
        %mul3A_322 = arith.constant 16 : i32
        %mul3A_323 = arith.muli %mul3A_321, %mul3A_322 : i32
        "tpu.region"() ({
          %run_scoped3A = tpu.sem_alloc : memref<!tpu.dma_semaphore, #tpu.memory_space<semaphore_mem>>
          %dma_start3A_324 = tpu.memref_slice %arg23[%mul3A_323] : memref<512xf32, #tpu.memory_space<vmem_shared>> -> memref<32xf32, #tpu.memory_space<vmem_shared>>
          %dma_start3A_325 = tpu.memref_slice %arg23[%mul3A_323] : memref<512xf32, #tpu.memory_space<vmem_shared>> -> memref<32xf32, #tpu.memory_space<vmem_shared>>
          tpu.enqueue_dma source(%arg20 : memref<32xf32, #tpu.memory_space<vmem>>) target(%dma_start3A_325 : memref<32xf32, #tpu.memory_space<vmem_shared>>) target_semaphore(%run_scoped3A : memref<!tpu.dma_semaphore, #tpu.memory_space<semaphore_mem>>)
          %dma_wait3A_326 = tpu.memref_slice %arg23[%mul3A_323] : memref<512xf32, #tpu.memory_space<vmem_shared>> -> memref<32xf32, #tpu.memory_space<vmem_shared>>
          %dma_wait3A_327 = tpu.memref_slice %arg23[%mul3A_323] : memref<512xf32, #tpu.memory_space<vmem_shared>> -> memref<32xf32, #tpu.memory_space<vmem_shared>>
          tpu.wait_dma2 semaphore(%run_scoped3A : memref<!tpu.dma_semaphore, #tpu.memory_space<semaphore_mem>>) src(%arg20 : memref<32xf32, #tpu.memory_space<vmem>>) dst(%dma_wait3A_327 : memref<32xf32, #tpu.memory_space<vmem_shared>>)
          tpu.yield
        }) : () -> ()
      } else {
      }
      %not3A = arith.constant true
      %not3A_85 = arith.xori %eq3A_81, %not3A : i1
      %convert_element_type3A_86 = arith.extui %not3A_85 : i1 to i32
      %cond3A_87 = arith.constant 0 : i32
      %cond3A_88 = arith.cmpi ne, %convert_element_type3A_86, %cond3A_87 : i32
      scf.if %cond3A_88 {
        %mul3A_320 = arith.constant 2 : i32
        %mul3A_321 = arith.muli %arg1, %mul3A_320 : i32
        %mul3A_322 = arith.constant 16 : i32
        %mul3A_323 = arith.muli %mul3A_321, %mul3A_322 : i32
        "tpu.region"() ({
          %run_scoped3A = tpu.sem_alloc : memref<!tpu.dma_semaphore, #tpu.memory_space<semaphore_mem>>
          %dma_start3A_324 = tpu.memref_slice %arg24[%mul3A_323] : memref<512xf32, #tpu.memory_space<vmem_shared>> -> memref<32xf32, #tpu.memory_space<vmem_shared>>
          %dma_start3A_325 = tpu.memref_slice %arg24[%mul3A_323] : memref<512xf32, #tpu.memory_space<vmem_shared>> -> memref<32xf32, #tpu.memory_space<vmem_shared>>
          tpu.enqueue_dma source(%arg20 : memref<32xf32, #tpu.memory_space<vmem>>) target(%dma_start3A_325 : memref<32xf32, #tpu.memory_space<vmem_shared>>) target_semaphore(%run_scoped3A : memref<!tpu.dma_semaphore, #tpu.memory_space<semaphore_mem>>)
          %dma_wait3A_326 = tpu.memref_slice %arg24[%mul3A_323] : memref<512xf32, #tpu.memory_space<vmem_shared>> -> memref<32xf32, #tpu.memory_space<vmem_shared>>
          %dma_wait3A_327 = tpu.memref_slice %arg24[%mul3A_323] : memref<512xf32, #tpu.memory_space<vmem_shared>> -> memref<32xf32, #tpu.memory_space<vmem_shared>>
          tpu.wait_dma2 semaphore(%run_scoped3A : memref<!tpu.dma_semaphore, #tpu.memory_space<semaphore_mem>>) src(%arg20 : memref<32xf32, #tpu.memory_space<vmem>>) dst(%dma_wait3A_327 : memref<32xf32, #tpu.memory_space<vmem_shared>>)
          tpu.yield
        }) : () -> ()
      } else {
      }
      %barrier3A = arith.constant 0 : index
      tpu.barrier barrier_id(%barrier3A)
      %convert_element_type3A_89 = arith.extui %eq3A_81 : i1 to i32
      %cond3A_90 = arith.constant 0 : i32
      %cond3A_91 = arith.cmpi ne, %convert_element_type3A_89, %cond3A_90 : i32
      scf.if %cond3A_91 {
        "tpu.region"() ({
          %run_scoped3A = tpu.sem_alloc : memref<!tpu.dma_semaphore, #tpu.memory_space<semaphore_mem>>
          tpu.enqueue_dma source(%arg23 : memref<512xf32, #tpu.memory_space<vmem_shared>>) target(%arg21 : memref<512xf32, #tpu.memory_space<vmem>>) target_semaphore(%run_scoped3A : memref<!tpu.dma_semaphore, #tpu.memory_space<semaphore_mem>>)
          tpu.wait_dma2 semaphore(%run_scoped3A : memref<!tpu.dma_semaphore, #tpu.memory_space<semaphore_mem>>) src(%arg23 : memref<512xf32, #tpu.memory_space<vmem_shared>>) dst(%arg21 : memref<512xf32, #tpu.memory_space<vmem>>)
          tpu.yield
        }) : () -> ()
      } else {
      }
      %not3A_92 = arith.constant true
      %not3A_93 = arith.xori %eq3A_81, %not3A_92 : i1
      %convert_element_type3A_94 = arith.extui %not3A_93 : i1 to i32
      %cond3A_95 = arith.constant 0 : i32
      %cond3A_96 = arith.cmpi ne, %convert_element_type3A_94, %cond3A_95 : i32
      scf.if %cond3A_96 {
        "tpu.region"() ({
          %run_scoped3A = tpu.sem_alloc : memref<!tpu.dma_semaphore, #tpu.memory_space<semaphore_mem>>
          tpu.enqueue_dma source(%arg24 : memref<512xf32, #tpu.memory_space<vmem_shared>>) target(%arg21 : memref<512xf32, #tpu.memory_space<vmem>>) target_semaphore(%run_scoped3A : memref<!tpu.dma_semaphore, #tpu.memory_space<semaphore_mem>>)
          tpu.wait_dma2 semaphore(%run_scoped3A : memref<!tpu.dma_semaphore, #tpu.memory_space<semaphore_mem>>) src(%arg24 : memref<512xf32, #tpu.memory_space<vmem_shared>>) dst(%arg21 : memref<512xf32, #tpu.memory_space<vmem>>)
          tpu.yield
        }) : () -> ()
      } else {
      }
      %get3A = arith.constant 0 : index
      %get3A_97 = tpu.vector_load %arg21[%get3A] {strides = array<i32>} : memref<512xf32, #tpu.memory_space<vmem>>, vector<16xf32>,
      %get3A_98 = arith.constant 16 : index
      %get3A_99 = tpu.vector_load %arg21[%get3A_98] {strides = array<i32>} : memref<512xf32, #tpu.memory_space<vmem>>, vector<16xf32>,
      %bitcast3A_100 = vector.bitcast %get3A_99 : vector<16xf32> to vector<16xi32>
      %scan3A_101 = arith.constant 1 : i32
      %scan3A_102 = arith.constant 15 : i32
      %scan3A_103 = arith.addi %scan3A_101, %scan3A_102 : i32
      %scan3A_104 = arith.constant 1 : i32
      %scan3A_105:2 = scf.for %scan3A_320 = %scan3A_101 to %scan3A_103 step %scan3A_104 iter_args(%scan3A_321 = %get3A_97, %scan3A_322 = %bitcast3A_100) -> (vector<16xf32>, vector<16xi32>)  : i32 {
        %mul3A_323 = arith.constant 2 : i32
        %mul3A_324 = arith.muli %scan3A_320, %mul3A_323 : i32
        %mul3A_325 = arith.constant 16 : i32
        %mul3A_326 = arith.muli %mul3A_324, %mul3A_325 : i32
        %get3A_327 = arith.index_cast %mul3A_326 : i32 to index
        %get3A_328 = tpu.vector_load %arg21[%get3A_327] {strides = array<i32>} : memref<512xf32, #tpu.memory_space<vmem>>, vector<16xf32>,
        %mul3A_329 = arith.constant 2 : i32
        %mul3A_330 = arith.muli %scan3A_320, %mul3A_329 : i32
        %mul3A_331 = arith.constant 16 : i32
        %mul3A_332 = arith.muli %mul3A_330, %mul3A_331 : i32
        %add3A_333 = arith.constant 16 : i32
        %add3A_334 = arith.addi %mul3A_332, %add3A_333 : i32
        %get3A_335 = arith.index_cast %add3A_334 : i32 to index
        %get3A_336 = tpu.vector_load %arg21[%get3A_335] {strides = array<i32>} : memref<512xf32, #tpu.memory_space<vmem>>, vector<16xf32>,
        %bitcast3A_337 = vector.bitcast %get3A_336 : vector<16xf32> to vector<16xi32>
        %gt3A_338 = arith.cmpf ogt, %get3A_328, %scan3A_321 : vector<16xf32>
        %eq3A_339 = arith.cmpf oeq, %get3A_328, %scan3A_321 : vector<16xf32>
        %lt3A_340 = arith.cmpi slt, %bitcast3A_337, %scan3A_322 : vector<16xi32>
        %and3A_341 = arith.andi %eq3A_339, %lt3A_340 : vector<16xi1>
        %or3A_342 = arith.ori %gt3A_338, %and3A_341 : vector<16xi1>
        %select_n3A_343 = arith.select %or3A_342, %get3A_328, %scan3A_321 : vector<16xi1>, vector<16xf32>
        %select_n3A_344 = arith.select %or3A_342, %bitcast3A_337, %scan3A_322 : vector<16xi1>, vector<16xi32>
        scf.yield %select_n3A_343, %select_n3A_344 : vector<16xf32>, vector<16xi32>
      }
      %scan3A_106 = arith.constant 15 : i32
      %xor3A = arith.constant 1 : i32
      %xor3A_107 = vector.broadcast %xor3A : i32 to vector<16xi32>
      %xor3A_108 = arith.xori %iota3A, %xor3A_107 : vector<16xi32>
      %lt3A_109 = arith.constant 0 : i32
      %lt3A_110 = vector.broadcast %lt3A_109 : i32 to vector<16xi32>
      %lt3A_111 = arith.cmpi slt, %xor3A_108, %lt3A_110 : vector<16xi32>
      %add3A_112 = arith.constant 16 : i32
      %add3A_113 = vector.broadcast %add3A_112 : i32 to vector<16xi32>
      %add3A_114 = arith.addi %xor3A_108, %add3A_113 : vector<16xi32>
      %select_n3A_115 = arith.select %lt3A_111, %add3A_114, %xor3A_108 : vector<16xi1>, vector<16xi32>
      %broadcast_in_dim3A_116 = vector.shape_cast %select_n3A_115 : vector<16xi32> to vector<16x1xi32>
      %gather3A = vector.shape_cast %broadcast_in_dim3A_116 : vector<16x1xi32> to vector<16xi32>
      %gather3A_117 = tpu.dynamic_gather %scan3A_105#0[%gather3A] in [0] : vector<16xf32>, vector<16xi32> -> vector<16xf32>
      %lt3A_118 = arith.constant 0 : i32
      %lt3A_119 = vector.broadcast %lt3A_118 : i32 to vector<16xi32>
      %lt3A_120 = arith.cmpi slt, %xor3A_108, %lt3A_119 : vector<16xi32>
      %add3A_121 = arith.constant 16 : i32
      %add3A_122 = vector.broadcast %add3A_121 : i32 to vector<16xi32>
      %add3A_123 = arith.addi %xor3A_108, %add3A_122 : vector<16xi32>
      %select_n3A_124 = arith.select %lt3A_120, %add3A_123, %xor3A_108 : vector<16xi1>, vector<16xi32>
      %broadcast_in_dim3A_125 = vector.shape_cast %select_n3A_124 : vector<16xi32> to vector<16x1xi32>
      %gather3A_126 = vector.shape_cast %broadcast_in_dim3A_125 : vector<16x1xi32> to vector<16xi32>
      %gather3A_127 = tpu.dynamic_gather %scan3A_105#1[%gather3A_126] in [0] : vector<16xi32>, vector<16xi32> -> vector<16xi32>
      %gt3A = arith.cmpf ogt, %gather3A_117, %scan3A_105#0 : vector<16xf32>
      %eq3A_128 = arith.cmpf oeq, %gather3A_117, %scan3A_105#0 : vector<16xf32>
      %lt3A_129 = arith.cmpi slt, %gather3A_127, %scan3A_105#1 : vector<16xi32>
      %and3A_130 = arith.andi %eq3A_128, %lt3A_129 : vector<16xi1>
      %or3A = arith.ori %gt3A, %and3A_130 : vector<16xi1>
      %select_n3A_131 = arith.select %or3A, %gather3A_117, %scan3A_105#0 : vector<16xi1>, vector<16xf32>
      %select_n3A_132 = arith.select %or3A, %gather3A_127, %scan3A_105#1 : vector<16xi1>, vector<16xi32>
      %xor3A_133 = arith.constant 2 : i32
      %xor3A_134 = vector.broadcast %xor3A_133 : i32 to vector<16xi32>
      %xor3A_135 = arith.xori %iota3A, %xor3A_134 : vector<16xi32>
      %lt3A_136 = arith.constant 0 : i32
      %lt3A_137 = vector.broadcast %lt3A_136 : i32 to vector<16xi32>
      %lt3A_138 = arith.cmpi slt, %xor3A_135, %lt3A_137 : vector<16xi32>
      %add3A_139 = arith.constant 16 : i32
      %add3A_140 = vector.broadcast %add3A_139 : i32 to vector<16xi32>
      %add3A_141 = arith.addi %xor3A_135, %add3A_140 : vector<16xi32>
      %select_n3A_142 = arith.select %lt3A_138, %add3A_141, %xor3A_135 : vector<16xi1>, vector<16xi32>
      %broadcast_in_dim3A_143 = vector.shape_cast %select_n3A_142 : vector<16xi32> to vector<16x1xi32>
      %gather3A_144 = vector.shape_cast %broadcast_in_dim3A_143 : vector<16x1xi32> to vector<16xi32>
      %gather3A_145 = tpu.dynamic_gather %select_n3A_131[%gather3A_144] in [0] : vector<16xf32>, vector<16xi32> -> vector<16xf32>
      %lt3A_146 = arith.constant 0 : i32
      %lt3A_147 = vector.broadcast %lt3A_146 : i32 to vector<16xi32>
      %lt3A_148 = arith.cmpi slt, %xor3A_135, %lt3A_147 : vector<16xi32>
      %add3A_149 = arith.constant 16 : i32
      %add3A_150 = vector.broadcast %add3A_149 : i32 to vector<16xi32>
      %add3A_151 = arith.addi %xor3A_135, %add3A_150 : vector<16xi32>
      %select_n3A_152 = arith.select %lt3A_148, %add3A_151, %xor3A_135 : vector<16xi1>, vector<16xi32>
      %broadcast_in_dim3A_153 = vector.shape_cast %select_n3A_152 : vector<16xi32> to vector<16x1xi32>
      %gather3A_154 = vector.shape_cast %broadcast_in_dim3A_153 : vector<16x1xi32> to vector<16xi32>
      %gather3A_155 = tpu.dynamic_gather %select_n3A_132[%gather3A_154] in [0] : vector<16xi32>, vector<16xi32> -> vector<16xi32>
      %gt3A_156 = arith.cmpf ogt, %gather3A_145, %select_n3A_131 : vector<16xf32>
      %eq3A_157 = arith.cmpf oeq, %gather3A_145, %select_n3A_131 : vector<16xf32>
      %lt3A_158 = arith.cmpi slt, %gather3A_155, %select_n3A_132 : vector<16xi32>
      %and3A_159 = arith.andi %eq3A_157, %lt3A_158 : vector<16xi1>
      %or3A_160 = arith.ori %gt3A_156, %and3A_159 : vector<16xi1>
      %select_n3A_161 = arith.select %or3A_160, %gather3A_145, %select_n3A_131 : vector<16xi1>, vector<16xf32>
      %select_n3A_162 = arith.select %or3A_160, %gather3A_155, %select_n3A_132 : vector<16xi1>, vector<16xi32>
      %xor3A_163 = arith.constant 4 : i32
      %xor3A_164 = vector.broadcast %xor3A_163 : i32 to vector<16xi32>
      %xor3A_165 = arith.xori %iota3A, %xor3A_164 : vector<16xi32>
      %lt3A_166 = arith.constant 0 : i32
      %lt3A_167 = vector.broadcast %lt3A_166 : i32 to vector<16xi32>
      %lt3A_168 = arith.cmpi slt, %xor3A_165, %lt3A_167 : vector<16xi32>
      %add3A_169 = arith.constant 16 : i32
      %add3A_170 = vector.broadcast %add3A_169 : i32 to vector<16xi32>
      %add3A_171 = arith.addi %xor3A_165, %add3A_170 : vector<16xi32>
      %select_n3A_172 = arith.select %lt3A_168, %add3A_171, %xor3A_165 : vector<16xi1>, vector<16xi32>
      %broadcast_in_dim3A_173 = vector.shape_cast %select_n3A_172 : vector<16xi32> to vector<16x1xi32>
      %gather3A_174 = vector.shape_cast %broadcast_in_dim3A_173 : vector<16x1xi32> to vector<16xi32>
      %gather3A_175 = tpu.dynamic_gather %select_n3A_161[%gather3A_174] in [0] : vector<16xf32>, vector<16xi32> -> vector<16xf32>
      %lt3A_176 = arith.constant 0 : i32
      %lt3A_177 = vector.broadcast %lt3A_176 : i32 to vector<16xi32>
      %lt3A_178 = arith.cmpi slt, %xor3A_165, %lt3A_177 : vector<16xi32>
      %add3A_179 = arith.constant 16 : i32
      %add3A_180 = vector.broadcast %add3A_179 : i32 to vector<16xi32>
      %add3A_181 = arith.addi %xor3A_165, %add3A_180 : vector<16xi32>
      %select_n3A_182 = arith.select %lt3A_178, %add3A_181, %xor3A_165 : vector<16xi1>, vector<16xi32>
      %broadcast_in_dim3A_183 = vector.shape_cast %select_n3A_182 : vector<16xi32> to vector<16x1xi32>
      %gather3A_184 = vector.shape_cast %broadcast_in_dim3A_183 : vector<16x1xi32> to vector<16xi32>
      %gather3A_185 = tpu.dynamic_gather %select_n3A_162[%gather3A_184] in [0] : vector<16xi32>, vector<16xi32> -> vector<16xi32>
      %gt3A_186 = arith.cmpf ogt, %gather3A_175, %select_n3A_161 : vector<16xf32>
      %eq3A_187 = arith.cmpf oeq, %gather3A_175, %select_n3A_161 : vector<16xf32>
      %lt3A_188 = arith.cmpi slt, %gather3A_185, %select_n3A_162 : vector<16xi32>
      %and3A_189 = arith.andi %eq3A_187, %lt3A_188 : vector<16xi1>
      %or3A_190 = arith.ori %gt3A_186, %and3A_189 : vector<16xi1>
      %select_n3A_191 = arith.select %or3A_190, %gather3A_175, %select_n3A_161 : vector<16xi1>, vector<16xf32>
      %select_n3A_192 = arith.select %or3A_190, %gather3A_185, %select_n3A_162 : vector<16xi1>, vector<16xi32>
      %xor3A_193 = arith.constant 8 : i32
      %xor3A_194 = vector.broadcast %xor3A_193 : i32 to vector<16xi32>
      %xor3A_195 = arith.xori %iota3A, %xor3A_194 : vector<16xi32>
      %lt3A_196 = arith.constant 0 : i32
      %lt3A_197 = vector.broadcast %lt3A_196 : i32 to vector<16xi32>
      %lt3A_198 = arith.cmpi slt, %xor3A_195, %lt3A_197 : vector<16xi32>
      %add3A_199 = arith.constant 16 : i32
      %add3A_200 = vector.broadcast %add3A_199 : i32 to vector<16xi32>
      %add3A_201 = arith.addi %xor3A_195, %add3A_200 : vector<16xi32>
      %select_n3A_202 = arith.select %lt3A_198, %add3A_201, %xor3A_195 : vector<16xi1>, vector<16xi32>
      %broadcast_in_dim3A_203 = vector.shape_cast %select_n3A_202 : vector<16xi32> to vector<16x1xi32>
      %gather3A_204 = vector.shape_cast %broadcast_in_dim3A_203 : vector<16x1xi32> to vector<16xi32>
      %gather3A_205 = tpu.dynamic_gather %select_n3A_191[%gather3A_204] in [0] : vector<16xf32>, vector<16xi32> -> vector<16xf32>
      %lt3A_206 = arith.constant 0 : i32
      %lt3A_207 = vector.broadcast %lt3A_206 : i32 to vector<16xi32>
      %lt3A_208 = arith.cmpi slt, %xor3A_195, %lt3A_207 : vector<16xi32>
      %add3A_209 = arith.constant 16 : i32
      %add3A_210 = vector.broadcast %add3A_209 : i32 to vector<16xi32>
      %add3A_211 = arith.addi %xor3A_195, %add3A_210 : vector<16xi32>
      %select_n3A_212 = arith.select %lt3A_208, %add3A_211, %xor3A_195 : vector<16xi1>, vector<16xi32>
      %broadcast_in_dim3A_213 = vector.shape_cast %select_n3A_212 : vector<16xi32> to vector<16x1xi32>
      %gather3A_214 = vector.shape_cast %broadcast_in_dim3A_213 : vector<16x1xi32> to vector<16xi32>
      %gather3A_215 = tpu.dynamic_gather %select_n3A_192[%gather3A_214] in [0] : vector<16xi32>, vector<16xi32> -> vector<16xi32>
      %gt3A_216 = arith.cmpf ogt, %gather3A_205, %select_n3A_191 : vector<16xf32>
      %eq3A_217 = arith.cmpf oeq, %gather3A_205, %select_n3A_191 : vector<16xf32>
      %lt3A_218 = arith.cmpi slt, %gather3A_215, %select_n3A_192 : vector<16xi32>
      %and3A_219 = arith.andi %eq3A_217, %lt3A_218 : vector<16xi1>
      %or3A_220 = arith.ori %gt3A_216, %and3A_219 : vector<16xi1>
      %select_n3A_221 = arith.select %or3A_220, %gather3A_205, %select_n3A_191 : vector<16xi1>, vector<16xf32>
      %select_n3A_222 = arith.select %or3A_220, %gather3A_215, %select_n3A_192 : vector<16xi1>, vector<16xi32>
      %min3A = arith.constant 4999 : i32
      %min3A_223 = vector.broadcast %min3A : i32 to vector<16xi32>
      %min3A_224 = arith.minsi %select_n3A_222, %min3A_223 : vector<16xi32>
      %gather3A_225 = tpu.vector_load_idx %arg9[%min3A_224] : memref<5120xf32, #tpu.memory_space<vmem>>[vector<16xi32>], vector<16xf32>,
      %gather3A_226 = tpu.vector_load_idx %arg10[%min3A_224] : memref<5120xf32, #tpu.memory_space<vmem>>[vector<16xi32>], vector<16xf32>,
      %gather3A_227 = tpu.vector_load_idx %arg11[%min3A_224] : memref<5120xf32, #tpu.memory_space<vmem>>[vector<16xi32>], vector<16xf32>,
      %gather3A_228 = tpu.vector_load_idx %arg12[%min3A_224] : memref<5120xf32, #tpu.memory_space<vmem>>[vector<16xi32>], vector<16xf32>,
      %gather3A_229 = tpu.vector_load_idx %arg13[%min3A_224] : memref<5120xi32, #tpu.memory_space<vmem>>[vector<16xi32>], vector<16xi32>,
      %convert_element_type3A_230 = arith.sitofp %gather3A_229 : vector<16xi32> to vector<16xf32>
      %mul3A_231 = arith.constant 4.180000e+02 : f32
      %mul3A_232 = vector.broadcast %mul3A_231 : f32 to vector<16xf32>
      %mul3A_233 = arith.mulf %convert_element_type3A_230, %mul3A_232 : vector<16xf32>
      %div3A = arith.constant 2.000000e+00 : f32
      %div3A_234 = vector.broadcast %div3A : f32 to vector<16xf32>
      %div3A_235 = arith.divf %gather3A_227, %div3A_234 : vector<16xf32>
      %sub3A = arith.subf %gather3A_225, %div3A_235 : vector<16xf32>
      %max3A = arith.constant 0.000000e+00 : f32
      %max3A_236 = vector.broadcast %max3A : f32 to vector<16xf32>
      %max3A_237 = arith.maximumf %sub3A, %max3A_236 : vector<16xf32>
      %min3A_238 = arith.constant 4.160000e+02 : f32
      %min3A_239 = vector.broadcast %min3A_238 : f32 to vector<16xf32>
      %min3A_240 = arith.minimumf %max3A_237, %min3A_239 : vector<16xf32>
      %div3A_241 = arith.constant 2.000000e+00 : f32
      %div3A_242 = vector.broadcast %div3A_241 : f32 to vector<16xf32>
      %div3A_243 = arith.divf %gather3A_228, %div3A_242 : vector<16xf32>
      %sub3A_244 = arith.subf %gather3A_226, %div3A_243 : vector<16xf32>
      %max3A_245 = arith.constant 0.000000e+00 : f32
      %max3A_246 = vector.broadcast %max3A_245 : f32 to vector<16xf32>
      %max3A_247 = arith.maximumf %sub3A_244, %max3A_246 : vector<16xf32>
      %min3A_248 = arith.constant 4.160000e+02 : f32
      %min3A_249 = vector.broadcast %min3A_248 : f32 to vector<16xf32>
      %min3A_250 = arith.minimumf %max3A_247, %min3A_249 : vector<16xf32>
      %div3A_251 = arith.constant 2.000000e+00 : f32
      %div3A_252 = vector.broadcast %div3A_251 : f32 to vector<16xf32>
      %div3A_253 = arith.divf %gather3A_227, %div3A_252 : vector<16xf32>
      %add3A_254 = arith.addf %gather3A_225, %div3A_253 : vector<16xf32>
      %max3A_255 = arith.constant 0.000000e+00 : f32
      %max3A_256 = vector.broadcast %max3A_255 : f32 to vector<16xf32>
      %max3A_257 = arith.maximumf %add3A_254, %max3A_256 : vector<16xf32>
      %min3A_258 = arith.constant 4.160000e+02 : f32
      %min3A_259 = vector.broadcast %min3A_258 : f32 to vector<16xf32>
      %min3A_260 = arith.minimumf %max3A_257, %min3A_259 : vector<16xf32>
      %div3A_261 = arith.constant 2.000000e+00 : f32
      %div3A_262 = vector.broadcast %div3A_261 : f32 to vector<16xf32>
      %div3A_263 = arith.divf %gather3A_228, %div3A_262 : vector<16xf32>
      %add3A_264 = arith.addf %gather3A_226, %div3A_263 : vector<16xf32>
      %max3A_265 = arith.constant 0.000000e+00 : f32
      %max3A_266 = vector.broadcast %max3A_265 : f32 to vector<16xf32>
      %max3A_267 = arith.maximumf %add3A_264, %max3A_266 : vector<16xf32>
      %min3A_268 = arith.constant 4.160000e+02 : f32
      %min3A_269 = vector.broadcast %min3A_268 : f32 to vector<16xf32>
      %min3A_270 = arith.minimumf %max3A_267, %min3A_269 : vector<16xf32>
      %add3A_271 = arith.addf %min3A_240, %mul3A_233 : vector<16xf32>
      %add3A_272 = arith.addf %min3A_250, %mul3A_233 : vector<16xf32>
      %add3A_273 = arith.addf %min3A_260, %mul3A_233 : vector<16xf32>
      %add3A_274 = arith.addf %min3A_270, %mul3A_233 : vector<16xf32>
      %sub3A_275 = arith.subf %add3A_273, %add3A_271 : vector<16xf32>
      %add3A_276 = arith.constant 1.000000e+00 : f32
      %add3A_277 = vector.broadcast %add3A_276 : f32 to vector<16xf32>
      %add3A_278 = arith.addf %sub3A_275, %add3A_277 : vector<16xf32>
      %sub3A_279 = arith.subf %add3A_274, %add3A_272 : vector<16xf32>
      %add3A_280 = arith.constant 1.000000e+00 : f32
      %add3A_281 = vector.broadcast %add3A_280 : f32 to vector<16xf32>
      %add3A_282 = arith.addf %sub3A_279, %add3A_281 : vector<16xf32>
      %mul3A_283 = arith.mulf %add3A_278, %add3A_282 : vector<16xf32>
      %eq3A_284 = arith.constant 0 : i32
      %eq3A_285 = vector.broadcast %eq3A_284 : i32 to vector<16xi32>
      %eq3A_286 = arith.cmpi eq, %iota3A, %eq3A_285 : vector<16xi32>
      %jit3A_287 = arith.constant 0.000000e+00 : f32
      %broadcast_in_dim3A_288 = vector.broadcast %jit3A_287 : f32 to vector<16xf32>
      %select_n3A_289 = arith.select %eq3A_286, %min3A_240, %broadcast_in_dim3A_288 : vector<16xi1>, vector<16xf32>
      %eq3A_290 = arith.constant 1 : i32
      %eq3A_291 = vector.broadcast %eq3A_290 : i32 to vector<16xi32>
      %eq3A_292 = arith.cmpi eq, %iota3A, %eq3A_291 : vector<16xi32>
      %select_n3A_293 = arith.select %eq3A_292, %min3A_250, %select_n3A_289 : vector<16xi1>, vector<16xf32>
      %eq3A_294 = arith.constant 2 : i32
      %eq3A_295 = vector.broadcast %eq3A_294 : i32 to vector<16xi32>
      %eq3A_296 = arith.cmpi eq, %iota3A, %eq3A_295 : vector<16xi32>
      %select_n3A_297 = arith.select %eq3A_296, %min3A_260, %select_n3A_293 : vector<16xi1>, vector<16xf32>
      %eq3A_298 = arith.constant 3 : i32
      %eq3A_299 = vector.broadcast %eq3A_298 : i32 to vector<16xi32>
      %eq3A_300 = arith.cmpi eq, %iota3A, %eq3A_299 : vector<16xi32>
      %select_n3A_301 = arith.select %eq3A_300, %min3A_270, %select_n3A_297 : vector<16xi1>, vector<16xf32>
      %eq3A_302 = arith.constant 4 : i32
      %eq3A_303 = vector.broadcast %eq3A_302 : i32 to vector<16xi32>
      %eq3A_304 = arith.cmpi eq, %iota3A, %eq3A_303 : vector<16xi32>
      %select_n3A_305 = arith.select %eq3A_304, %select_n3A_221, %select_n3A_301 : vector<16xi1>, vector<16xf32>
      %eq3A_306 = arith.constant 5 : i32
      %eq3A_307 = vector.broadcast %eq3A_306 : i32 to vector<16xi32>
      %eq3A_308 = arith.cmpi eq, %iota3A, %eq3A_307 : vector<16xi32>
      %select_n3A_309 = arith.select %eq3A_308, %convert_element_type3A_230, %select_n3A_305 : vector<16xi1>, vector<16xf32>
      %mul3A_310 = arith.constant 16 : i32
      %mul3A_311 = arith.muli %scan3A_64, %mul3A_310 : i32
      %swap3A_312 = arith.index_cast %mul3A_311 : i32 to index
      %swap3A_313 = tpu.vector_load %arg22[%swap3A_312] {strides = array<i32>} : memref<128xf32, #tpu.memory_space<vmem>>, vector<16xf32>,
      tpu.vector_store %arg22[%swap3A_312], %select_n3A_309 {strides = array<i32>} : memref<128xf32, #tpu.memory_space<vmem>>, vector<16xf32>,
      %scan3A_314 = arith.constant 0 : i32
      %scan3A_315 = arith.constant 10 : i32
      %scan3A_316 = arith.addi %scan3A_314, %scan3A_315 : i32
      %scan3A_317 = arith.constant 1 : i32
      %scan3A_318:2 = scf.for %scan3A_320 = %scan3A_314 to %scan3A_316 step %scan3A_317 iter_args(%scan3A_321 = %broadcast_in_dim3A_45, %scan3A_322 = %broadcast_in_dim3A_47) -> (vector<16xf32>, vector<16xi32>)  : i32 {
        %mul3A_323 = arith.constant 2 : i32
        %mul3A_324 = arith.muli %mul3A_323, %scan3A_320 : i32
        %add3A_325 = arith.constant 0 : i32
        %add3A_326 = arith.addi %mul3A_324, %add3A_325 : i32
        %mul3A_327 = arith.constant 16 : i32
        %mul3A_328 = arith.muli %add3A_326, %mul3A_327 : i32
        %get3A_329 = arith.index_cast %mul3A_328 : i32 to index
        %get3A_330 = tpu.vector_load %arg15[%get3A_329] {strides = array<i32>} : memref<320xf32, #tpu.memory_space<vmem>>, vector<16xf32>,
        %get3A_331 = arith.index_cast %mul3A_328 : i32 to index
        %get3A_332 = tpu.vector_load %arg16[%get3A_331] {strides = array<i32>} : memref<320xf32, #tpu.memory_space<vmem>>, vector<16xf32>,
        %get3A_333 = arith.index_cast %mul3A_328 : i32 to index
        %get3A_334 = tpu.vector_load %arg17[%get3A_333] {strides = array<i32>} : memref<320xf32, #tpu.memory_space<vmem>>, vector<16xf32>,
        %get3A_335 = arith.index_cast %mul3A_328 : i32 to index
        %get3A_336 = tpu.vector_load %arg18[%get3A_335] {strides = array<i32>} : memref<320xf32, #tpu.memory_space<vmem>>, vector<16xf32>,
        %get3A_337 = arith.index_cast %mul3A_328 : i32 to index
        %get3A_338 = tpu.vector_load %arg19[%get3A_337] {strides = array<i32>} : memref<320xf32, #tpu.memory_space<vmem>>, vector<16xf32>,
        %max3A_339 = arith.maximumf %add3A_271, %get3A_330 : vector<16xf32>
        %max3A_340 = arith.maximumf %add3A_272, %get3A_332 : vector<16xf32>
        %min3A_341 = arith.minimumf %add3A_273, %get3A_334 : vector<16xf32>
        %min3A_342 = arith.minimumf %add3A_274, %get3A_336 : vector<16xf32>
        %sub3A_343 = arith.subf %min3A_341, %max3A_339 : vector<16xf32>
        %add3A_344 = arith.constant 1.000000e+00 : f32
        %add3A_345 = vector.broadcast %add3A_344 : f32 to vector<16xf32>
        %add3A_346 = arith.addf %sub3A_343, %add3A_345 : vector<16xf32>
        %max3A_347 = arith.constant 0.000000e+00 : f32
        %max3A_348 = vector.broadcast %max3A_347 : f32 to vector<16xf32>
        %max3A_349 = arith.maximumf %add3A_346, %max3A_348 : vector<16xf32>
        %sub3A_350 = arith.subf %min3A_342, %max3A_340 : vector<16xf32>
        %add3A_351 = arith.constant 1.000000e+00 : f32
        %add3A_352 = vector.broadcast %add3A_351 : f32 to vector<16xf32>
        %add3A_353 = arith.addf %sub3A_350, %add3A_352 : vector<16xf32>
        %max3A_354 = arith.constant 0.000000e+00 : f32
        %max3A_355 = vector.broadcast %max3A_354 : f32 to vector<16xf32>
        %max3A_356 = arith.maximumf %add3A_353, %max3A_355 : vector<16xf32>
        %mul3A_357 = arith.mulf %max3A_349, %max3A_356 : vector<16xf32>
        %add3A_358 = arith.addf %mul3A_283, %get3A_338 : vector<16xf32>
        %sub3A_359 = arith.subf %add3A_358, %mul3A_357 : vector<16xf32>
        %add3A_360 = arith.constant 1.000000e-16 : f32
        %add3A_361 = vector.broadcast %add3A_360 : f32 to vector<16xf32>
        %add3A_362 = arith.addf %sub3A_359, %add3A_361 : vector<16xf32>
        %div3A_363 = arith.divf %mul3A_357, %add3A_362 : vector<16xf32>
        %gt3A_364 = arith.constant 3.000000e-01 : f32
        %gt3A_365 = vector.broadcast %gt3A_364 : f32 to vector<16xf32>
        %gt3A_366 = arith.cmpf ogt, %div3A_363, %gt3A_365 : vector<16xf32>
        %get3A_367 = arith.index_cast %mul3A_328 : i32 to index
        %get3A_368 = tpu.vector_load %arg14[%get3A_367] {strides = array<i32>} : memref<320xf32, #tpu.memory_space<vmem>>, vector<16xf32>,
        %jit3A_369 = arith.constant -1.000000e+00 : f32
        %broadcast_in_dim3A_370 = vector.broadcast %jit3A_369 : f32 to vector<16xf32>
        %select_n3A_371 = arith.select %gt3A_366, %broadcast_in_dim3A_370, %get3A_368 : vector<16xi1>, vector<16xf32>
        %swap3A_372 = arith.index_cast %mul3A_328 : i32 to index
        %swap3A_373 = tpu.vector_load %arg14[%swap3A_372] {strides = array<i32>} : memref<320xf32, #tpu.memory_space<vmem>>, vector<16xf32>,
        tpu.vector_store %arg14[%swap3A_372], %select_n3A_371 {strides = array<i32>} : memref<320xf32, #tpu.memory_space<vmem>>, vector<16xf32>,
        %gt3A_374 = arith.cmpf ogt, %select_n3A_371, %scan3A_321 : vector<16xf32>
        %select_n3A_375 = arith.select %gt3A_374, %select_n3A_371, %scan3A_321 : vector<16xi1>, vector<16xf32>
        %mul3A_376 = arith.constant 16 : i32
        %mul3A_377 = arith.muli %add3A_326, %mul3A_376 : i32
        %add3A_378 = arith.addi %mul3A_0, %mul3A_377 : i32
        %add3A_379 = vector.broadcast %add3A_378 : i32 to vector<16xi32>
        %add3A_380 = arith.addi %iota3A, %add3A_379 : vector<16xi32>
        %select_n3A_381 = arith.select %gt3A_374, %add3A_380, %scan3A_322 : vector<16xi1>, vector<16xi32>
        %mul3A_382 = arith.constant 2 : i32
        %mul3A_383 = arith.muli %mul3A_382, %scan3A_320 : i32
        %add3A_384 = arith.constant 1 : i32
        %add3A_385 = arith.addi %mul3A_383, %add3A_384 : i32
        %mul3A_386 = arith.constant 16 : i32
        %mul3A_387 = arith.muli %add3A_385, %mul3A_386 : i32
        %get3A_388 = arith.index_cast %mul3A_387 : i32 to index
        %get3A_389 = tpu.vector_load %arg15[%get3A_388] {strides = array<i32>} : memref<320xf32, #tpu.memory_space<vmem>>, vector<16xf32>,
        %get3A_390 = arith.index_cast %mul3A_387 : i32 to index
        %get3A_391 = tpu.vector_load %arg16[%get3A_390] {strides = array<i32>} : memref<320xf32, #tpu.memory_space<vmem>>, vector<16xf32>,
        %get3A_392 = arith.index_cast %mul3A_387 : i32 to index
        %get3A_393 = tpu.vector_load %arg17[%get3A_392] {strides = array<i32>} : memref<320xf32, #tpu.memory_space<vmem>>, vector<16xf32>,
        %get3A_394 = arith.index_cast %mul3A_387 : i32 to index
        %get3A_395 = tpu.vector_load %arg18[%get3A_394] {strides = array<i32>} : memref<320xf32, #tpu.memory_space<vmem>>, vector<16xf32>,
        %get3A_396 = arith.index_cast %mul3A_387 : i32 to index
        %get3A_397 = tpu.vector_load %arg19[%get3A_396] {strides = array<i32>} : memref<320xf32, #tpu.memory_space<vmem>>, vector<16xf32>,
        %max3A_398 = arith.maximumf %add3A_271, %get3A_389 : vector<16xf32>
        %max3A_399 = arith.maximumf %add3A_272, %get3A_391 : vector<16xf32>
        %min3A_400 = arith.minimumf %add3A_273, %get3A_393 : vector<16xf32>
        %min3A_401 = arith.minimumf %add3A_274, %get3A_395 : vector<16xf32>
        %sub3A_402 = arith.subf %min3A_400, %max3A_398 : vector<16xf32>
        %add3A_403 = arith.constant 1.000000e+00 : f32
        %add3A_404 = vector.broadcast %add3A_403 : f32 to vector<16xf32>
        %add3A_405 = arith.addf %sub3A_402, %add3A_404 : vector<16xf32>
        %max3A_406 = arith.constant 0.000000e+00 : f32
        %max3A_407 = vector.broadcast %max3A_406 : f32 to vector<16xf32>
        %max3A_408 = arith.maximumf %add3A_405, %max3A_407 : vector<16xf32>
        %sub3A_409 = arith.subf %min3A_401, %max3A_399 : vector<16xf32>
        %add3A_410 = arith.constant 1.000000e+00 : f32
        %add3A_411 = vector.broadcast %add3A_410 : f32 to vector<16xf32>
        %add3A_412 = arith.addf %sub3A_409, %add3A_411 : vector<16xf32>
        %max3A_413 = arith.constant 0.000000e+00 : f32
        %max3A_414 = vector.broadcast %max3A_413 : f32 to vector<16xf32>
        %max3A_415 = arith.maximumf %add3A_412, %max3A_414 : vector<16xf32>
        %mul3A_416 = arith.mulf %max3A_408, %max3A_415 : vector<16xf32>
        %add3A_417 = arith.addf %mul3A_283, %get3A_397 : vector<16xf32>
        %sub3A_418 = arith.subf %add3A_417, %mul3A_416 : vector<16xf32>
        %add3A_419 = arith.constant 1.000000e-16 : f32
        %add3A_420 = vector.broadcast %add3A_419 : f32 to vector<16xf32>
        %add3A_421 = arith.addf %sub3A_418, %add3A_420 : vector<16xf32>
        %div3A_422 = arith.divf %mul3A_416, %add3A_421 : vector<16xf32>
        %gt3A_423 = arith.constant 3.000000e-01 : f32
        %gt3A_424 = vector.broadcast %gt3A_423 : f32 to vector<16xf32>
        %gt3A_425 = arith.cmpf ogt, %div3A_422, %gt3A_424 : vector<16xf32>
        %get3A_426 = arith.index_cast %mul3A_387 : i32 to index
        %get3A_427 = tpu.vector_load %arg14[%get3A_426] {strides = array<i32>} : memref<320xf32, #tpu.memory_space<vmem>>, vector<16xf32>,
        %jit3A_428 = arith.constant -1.000000e+00 : f32
        %broadcast_in_dim3A_429 = vector.broadcast %jit3A_428 : f32 to vector<16xf32>
        %select_n3A_430 = arith.select %gt3A_425, %broadcast_in_dim3A_429, %get3A_427 : vector<16xi1>, vector<16xf32>
        %swap3A_431 = arith.index_cast %mul3A_387 : i32 to index
        %swap3A_432 = tpu.vector_load %arg14[%swap3A_431] {strides = array<i32>} : memref<320xf32, #tpu.memory_space<vmem>>, vector<16xf32>,
        tpu.vector_store %arg14[%swap3A_431], %select_n3A_430 {strides = array<i32>} : memref<320xf32, #tpu.memory_space<vmem>>, vector<16xf32>,
        %gt3A_433 = arith.cmpf ogt, %select_n3A_430, %select_n3A_375 : vector<16xf32>
        %select_n3A_434 = arith.select %gt3A_433, %select_n3A_430, %select_n3A_375 : vector<16xi1>, vector<16xf32>
        %mul3A_435 = arith.constant 16 : i32
        %mul3A_436 = arith.muli %add3A_385, %mul3A_435 : i32
        %add3A_437 = arith.addi %mul3A_0, %mul3A_436 : i32
        %add3A_438 = vector.broadcast %add3A_437 : i32 to vector<16xi32>
        %add3A_439 = arith.addi %iota3A, %add3A_438 : vector<16xi32>
        %select_n3A_440 = arith.select %gt3A_433, %add3A_439, %select_n3A_381 : vector<16xi1>, vector<16xi32>
        scf.yield %select_n3A_434, %select_n3A_440 : vector<16xf32>, vector<16xi32>
      }
      %scan3A_319 = arith.constant 10 : i32
      scf.yield %scan3A_318#0, %scan3A_318#1 : vector<16xf32>, vector<16xi32>
    }
    %scan3A_58 = arith.constant 8 : i32
    %eq3A_59 = arith.constant 0 : i32
    %eq3A_60 = arith.cmpi eq, %arg1, %eq3A_59 : i32
    %convert_element_type3A_61 = arith.extui %eq3A_60 : i1 to i32
    %cond3A_62 = arith.constant 0 : i32
    %cond3A_63 = arith.cmpi ne, %convert_element_type3A_61, %cond3A_62 : i32
    scf.if %cond3A_63 {
      "tpu.region"() ({
        %run_scoped3A = tpu.sem_alloc : memref<!tpu.dma_semaphore, #tpu.memory_space<semaphore_mem>>
        tpu.enqueue_dma source(%arg22 : memref<128xf32, #tpu.memory_space<vmem>>) target(%arg8 : memref<128xf32, #tpu.memory_space<hbm>>) target_semaphore(%run_scoped3A : memref<!tpu.dma_semaphore, #tpu.memory_space<semaphore_mem>>)
        tpu.wait_dma2 semaphore(%run_scoped3A : memref<!tpu.dma_semaphore, #tpu.memory_space<semaphore_mem>>) src(%arg22 : memref<128xf32, #tpu.memory_space<vmem>>) dst(%arg8 : memref<128xf32, #tpu.memory_space<hbm>>)
        tpu.yield
      }) : () -> ()
    } else {
    }
    return
  }
}

</mosaic_0001>

<sc_bundles>
// kernel: kernel.3.cloned.1.call-start
scs
__scs_entry_jumppad:
0x0: {  	(pc) =	sbr.rel $0x88, $3  }
0x1: {  	(tag) =	ssettag $0x0;
	lr =	simm.s32 $0x1  }
0x2: {  	[smem:$0x3F9E] =	sst lr;
	_ =	strace $0xD0000000  }
0x3: {  	_ = 	snop  }
0x4: {  	_ = 	snop  }
0x5: {  	_ = 	snop  }
0x6: {  	_ = 	snop  }
0x7: {  	_ = 	snop  }
__scs_overlays_trampoline_lowered:
0x8: {  	[smem:$0x3FAD] =	sst s0  }
0x9: {  	[smem:$0x3FAE] =	sst s1  }
0xa: {  	[smem:$0x3FAF] =	sst s2  }
0xb: {  	[smem:$0x3FB0] =	sst s3  }
0xc: {  	[smem:$0x3FB1] =	sst s4  }
0xd: {  	[smem:$0x3FB2] =	sst s5  }
0xe: {  	[smem:$0x3FB3] =	sst s6  }
0xf: {  	[smem:$0x3FB4] =	sst s7  }
0x10: {  	[smem:$0x3FB5] =	sst s8  }
0x11: {  	[smem:$0x3FB6] =	sst s9;
	s0 =	simm.s32 @!p0 $0x0  }
0x12: {  	s1 =	sld [smem:$0x3F9C];
	s0 =	simm.s32 @p0 $0x1  }
0x13: {  	[smem:$0x3FB7] =	sst s0;
	s0 =	simm.s32 @!p1 $0x0  }
0x14: {  	s2 =	sld [smem:$0x3F9B];
	s0 =	simm.s32 @p1 $0x1  }
0x15: {  	[smem:$0x3FB8] =	sst s0;
	s0 =	simm.s32 @!p2 $0x0  }
0x16: {  	s3 =	sld [smem:$0x3FDB];
	s0 =	simm.s32 @p2 $0x1  }
0x17: {  	s4 =	simm.s32 $0x1BF5;
	[smem:$0x3FBA] =	sst s0  }
0x18: {  	s0 =	sld [smem:$0x3F9D];
	_ =	swait.ge [sflag:s4], $0x0  }
0x19: {  	s7 =	sld [smem:$0x3F9E]  }
0x1a: {  	s8 =	sadd.s32 $0xFFFFE003, lr  }
0x1b: {  	s9 =	sadd.s32 $0xFFFFFEF7, lr;
	s5 =	simm.s32 $0xFFFFFFFF;
	p2 =	slt.u32 s8, $0xFFFFF086  }
0x1c: {  	p1 =	slt.u32 s9, $0xF7A;
	s5 =	simm.s32 @!p2 $0x0  }
0x1d: {  	s5 =	simm.s32 @p1 $0x1;
	p0 =	seq.s32 s7, s2  }
0x1e: {  	s7 =	smul.u32 @!p0 $0xF7A, s2;
	p2 =	seq.s32 @!p0 s5, $0x0  }
0x1f: {  	s9 =	smul.u32 $0xF7A, s1;
	s8 =	simm.s32 @!p0 $0x1BF5;
	p2 =	por !p2, p0  }
0x20: {  	[sflag:s8] =	ssyncset.s32 @!p0 $0xFFFFF086;
	s6 =	sadd.s32 @!p0 s3, s7;
	s7 =	simm.s32 @!p0 $0x108  }
0x21: {  	s3 =	sadd.s32 s3, s9;
	s6 =	sadd.s32 @!p0 $0x88, s6;
	s7 =	simm.s32 @p2 $0x1082  }
0x22: {  	[simem:s7], [sflag:s8] =	dma.local @!p0 [hbm:s6], $0xF7A  }
0x23: {  	s9 =	sor.u32 $0xD0000000, s2;
	s6 =	simm.s32 $0x108;
	_ =	swait.ge @!p0 [sflag:s8], $0x0  }
0x24: {  	s3 =	sadd.s32 $0x88, s3;
	s6 =	simm.s32 @!p1 $0x1082;
	[sflag:s4] =	ssyncset.s32 $0xFFFFF086  }
0x25: {  	[simem:s6], [sflag:s4] =	dma.local [hbm:s3], $0xF7A  }
0x26: {  	[smem:$0x3F9E] =	sst s1;
	(tag) =	ssettag s2;
	_ =	strace s9  }
0x27: {  	s1 =	sld [smem:$0x3FAE]  }
0x28: {  	s2 =	sld [smem:$0x3FAF]  }
0x29: {  	s4 =	sld [smem:$0x3FB1]  }
0x2a: {  	p0 =	seq.s32 s5, $0x0;
	s5 =	sld [smem:$0x3FB2]  }
0x2b: {  	s6 =	sld [smem:$0x3FB3]  }
0x2c: {  	s7 =	sld [smem:$0x3FB4]  }
0x2d: {  	s3 =	simm.s32 $0x108;
	s8 =	sld [smem:$0x3FB5]  }
0x2e: {  	s3 =	simm.s32 @!p0 $0x1082;
	s9 =	sld [smem:$0x3FB6]  }
0x2f: {  	lr =	sadd.s32 s0, s3;
	s0 =	sld [smem:$0x3FAD]  }
0x30: {  	s3 =	sld [smem:$0x3FB0]  }
0x31: {  	[smem:$0x3FB9] =	sst s10  }
0x32: {  	s10 =	sld [smem:$0x3FB7];
	_ =	sdelay $0x3  }
0x33: {  	p0 =	seq.s32 s10, $0x1;
	s10 =	sld [smem:$0x3FB9];
	_ =	sdelay $0x3  }
0x34: {  	[smem:$0x3FB9] =	sst s10  }
0x35: {  	s10 =	sld [smem:$0x3FB8];
	_ =	sdelay $0x3  }
0x36: {  	p1 =	seq.s32 s10, $0x1;
	s10 =	sld [smem:$0x3FB9];
	_ =	sdelay $0x3  }
0x37: {  	[smem:$0x3FB9] =	sst s10  }
0x38: {  	s10 =	sld [smem:$0x3FBA]  }
0x39: {  	_ = 	snop;
	(pc) =	sbr.ind lr, $3  }
0x3a: {  	_ = 	snop  }
0x3b: {  	_ = 	snop  }
0x3c: {  	p2 =	seq.s32 s10, $0x1;
	s10 =	sld [smem:$0x3FB9]  }
0x3d: {  	_ =	shalt  }
0x3e: {  	_ =	shalt  }
0x3f: {  	_ =	shalt  }
0x40: {  	_ =	shalt  }
0x41: {  	_ =	shalt  }
0x42: {  	_ =	shalt  }
0x43: {  	_ =	shalt  }
0x44: {  	_ =	shalt  }
0x45: {  	_ =	shalt  }
0x46: {  	_ =	shalt  }
0x47: {  	_ =	shalt  }
0x48: {  	_ =	shalt  }
0x49: {  	_ =	shalt  }
0x4a: {  	_ =	shalt  }
0x4b: {  	_ =	shalt  }
0x4c: {  	_ =	shalt  }
0x4d: {  	_ =	shalt  }
0x4e: {  	_ =	shalt  }
0x4f: {  	_ =	shalt  }
0x50: {  	_ =	shalt  }
0x51: {  	_ =	shalt  }
0x52: {  	_ =	shalt  }
0x53: {  	_ =	shalt  }
0x54: {  	_ =	shalt  }
0x55: {  	_ =	shalt  }
0x56: {  	_ =	shalt  }
0x57: {  	_ =	shalt  }
0x58: {  	_ =	shalt  }
0x59: {  	_ =	shalt  }
0x5a: {  	_ =	shalt  }
0x5b: {  	_ =	shalt  }
0x5c: {  	_ =	shalt  }
0x5d: {  	_ =	shalt  }
0x5e: {  	_ =	shalt  }
0x5f: {  	_ =	shalt  }
0x60: {  	_ =	shalt  }
0x61: {  	_ =	shalt  }
0x62: {  	_ =	shalt  }
0x63: {  	_ =	shalt  }
0x64: {  	_ =	shalt  }
0x65: {  	_ =	shalt  }
0x66: {  	_ =	shalt  }
0x67: {  	_ =	shalt  }
0x68: {  	_ =	shalt  }
0x69: {  	_ =	shalt  }
0x6a: {  	_ =	shalt  }
0x6b: {  	_ =	shalt  }
0x6c: {  	_ =	shalt  }
0x6d: {  	_ =	shalt  }
0x6e: {  	_ =	shalt  }
0x6f: {  	_ =	shalt  }
0x70: {  	_ =	shalt  }
0x71: {  	_ =	shalt  }
0x72: {  	_ =	shalt  }
0x73: {  	_ =	shalt  }
0x74: {  	_ =	shalt  }
0x75: {  	_ =	shalt  }
0x76: {  	_ =	shalt  }
0x77: {  	_ =	shalt  }
0x78: {  	_ =	shalt  }
0x79: {  	_ =	shalt  }
0x7a: {  	_ =	shalt  }
0x7b: {  	_ =	shalt  }
0x7c: {  	_ =	shalt  }
0x7d: {  	_ =	shalt  }
0x7e: {  	_ =	shalt  }
0x7f: {  	_ =	shalt  }
0x80: {  	_ =	shalt  }
0x81: {  	_ =	shalt  }
0x82: {  	_ =	shalt  }
0x83: {  	_ =	shalt  }
0x84: {  	_ =	shalt  }
0x85: {  	_ =	shalt  }
0x86: {  	_ =	shalt  }
0x87: {  	_ =	shalt  }
.Lfunc_end0:
.L_simem_size_0:
called_computation_lowered:
.L_overlay_start_0:
0x88: {  	s0 =	sld [smem:$0x3FD9]  }
0x89: {  	s1 =	sld [smem:$0x3FFE];
	_ =	sdelay $0x3  }
0x8a: {  	s0 =	sadd.s32 s1, s0  }
0x8b: {  	[smem:$0x3FC5] =	sst s0  }
0x8c: {  	_ = 	snop  }
0x8d: {  	s0 =	sld [smem:$0x3FC8]  }
0x8e: {  	s16 =	sld [smem:$0x3FC7]  }
0x8f: {  	s2 =	sld [smem:$0x3FD0];
	(tm) =	ssettm $0x1  }
0x90: {  	s3 =	sld [smem:$0x3FFB];
	_ =	sdelay $0x3  }
0x91: {  	_ =	strace s3  }
0x92: {  	s3 =	sld [smem:$0x3FFC];
	_ =	sdelay $0x3  }
0x93: {  	_ =	strace s3  }
0x94: {  	s3 =	sld [smem:$0x3FFD];
	_ =	sdelay $0x3  }
0x95: {  	_ =	strace s3  }
0x96: {  	_ =	strace $0x8FFFFFFF  }
0x97: {  	s17 =	sld [smem:$0x3FDB];
	_ =	sdelay $0x1  }
0x98: {  	s4 =	simm.s32 $_scs_section_size  }
0x99: {  	s5 =	simm.s32 $_size__tile_overlayer_lowered;
	s6 =	simm.s32 $_tile_overlayer_lowered  }
0x9a: {  	s20 =	simm.s32 $0x1BFF;
	s19 =	sshll.u32 s6, $0x1;
	s3 =	sadd.s32 s4, s17  }
0x9b: {  	s7 =	simm.s32 $0x0;
	s18 =	sshll.u32 s5, $0x1;
	s5 =	sadd.s32 s19, s3  }
0x9c: {  	[timem:s7], [sflag:s20] =	dma.local [hbm:s5], s18  }
0x9d: {  	_ =	swait.ge [sflag:s20], s18  }
0x9e: {  	s4 =	ssub.s32 $0x0, s18;
	[sflag:s20] =	ssyncset.done $0x0  }
0x9f: {  	[sflag:s20] =	ssyncadd.s32 s4;
	_ =	sdelay $0x1  }
0xa0: {  	s21 =	simm.s32 $0x1B8B  }
0xa1: {  	_ =	swait.ge [sflag:s21], $0x1  }
0xa2: {  	[sflag:s21] =	ssyncset.done $0x0  }
0xa3: {  	s23 =	simm.s32 $0x1B8E;
	s22 =	sld [smem:$0x3FFE];
	[sflag:s21] =	ssyncadd.s32 $0xFFFFFFFF  }
0xa4: {  	s24 =	simm.s32 $execute0_lowered;
	[smem:$0x3FD2] =	sst s23  }
0xa5: {  	s5 =	sshll.u32 s24, $0x1;
	_ =	strace $0x80000046;
	[dreg:$0x1] =	wrdreg $0xFFFFFFFF  }
0xa6: {  	s25 =	simm.s32 $_size_execute0_lowered;
	s3 =	sadd.s32 s3, s5;
	[dreg:$0x0] =	wrdreg $0x0  }
0xa7: {  	s5 =	sshll.u32 s25, $0x1;
	[dreg:$0x2] =	wrdreg s3  }
0xa8: {  	[dreg:$0x3] =	wrdreg s5  }
0xa9: {  	[dreg:$0x4] =	wrdreg $0xC0  }
0xaa: {  	_ =	task [dreg:s7], $0x5FFFF  }
0xab: {  	[dreg:$0x1] =	wrdreg $0xFFFFFFFF  }
0xac: {  	[dreg:$0x0] =	wrdreg $0x60  }
0xad: {  	[dreg:$0x2] =	wrdreg s22  }
0xae: {  	[dreg:$0x3] =	wrdreg s0  }
0xaf: {  	[dreg:$0x4] =	wrdreg s16  }
0xb0: {  	[dreg:$0x5] =	wrdreg s2  }
0xb1: {  	[dreg:$0x6] =	wrdreg $0x6E200  }
0xb2: {  	[dreg:$0x7] =	wrdreg $0x6E400  }
0xb3: {  	[dreg:$0x8] =	wrdreg $0x9  }
0xb4: {  	_ =	task.clear_ibuf [dreg:s7], $0x9FFFF;
	_ =	strace $0x90000046  }
0xb5: {  	s26 =	simm.s32 $0x9;
	_ =	strace $0x80000048  }
0xb6: {  	_ =	swait.ge [sflag:s26], $0x1  }
0xb7: {  	[sflag:s26] =	ssyncadd.s32 $0xFFFFFFFF  }
0xb8: {  	_ =	strace $0x90000048  }
0xb9: {  	_ =	sfence  }
0xba: {  	s28 =	sld [smem:$0x0];
	_ =	sdelay $0x1  }
0xbb: {  	s29 =	srdreg.scid  }
0xbc: {  	s30 =	sshll.u32 s29, $0xD;
	s31 =	sshrl.u32 s29, $0x2  }
0xbd: {  	s1 =	sand.u32 $0x1, s29;
	s2 =	sand.u32 $0x4000, s30;
	s0 =	sadd.s32 s31, s28  }
0xbe: {  	s1 =	sor.u32 s2, s1;
	s0 =	sshll.u32 s0, $0x11  }
0xbf: {  	s0 =	sor.u32 s0, s1  }
0xc0: {  	s0 =	sadd.s32 $0x8F2B, s0  }
0xc1: {  	[sflag:s0] =	ssyncadd.remote.s32 $0x1  }
0xc2: {  	_ =	sfence.sel $0xFFFF  }
0xc3: {  	[dreg:$0x0] =	wrdreg $0xFFFFFFFF;
	(pc) =	sbr.abs _section_cstart, $3  }
0xc4: {  	[dreg:$0x1] =	wrdreg $0xFFFFFFFF  }
0xc5: {  	_ =	task.clear_ibuf [dreg:s7], $0x2FFFF;
	_ =	strace $0x9FFFFFFF  }
0xc6: {  	(tm) =	ssettm $0x7FFFFFFF  }
0xc7: {  	_ =	shalt  }
tec
execute0_lowered:
.L_overlay_start_1:
0x0: {  	(tag) =	ssettag $0x1  }
0x1: {  	s4 =	rddreg [dreg:$0x0]  }
0x2: {  	s6 =	rddreg [dreg:$0x1]  }
0x3: {  	s5 =	rddreg [dreg:$0x2]  }
0x4: {  	s1 =	rddreg [dreg:$0x3]  }
0x5: {  	s2 =	rddreg [dreg:$0x4]  }
0x6: {  	s3 =	rddreg [dreg:$0x5];
	s7 =	simm.s32 $0x0  }
0x7: {  	[smem:$0x7FF] =	sst s7  }
0x8: {  	s0 =	rddreg [dreg:$0x6];
	s8 =	sadd.s32 $0x1400, s4;
	_ =	strace $0x80000047  }
0x9: {  	[tilespmem:s7], [sflag:$0x1] =	stream.linear.gather [hbm4b:s8+s7], $0x1388, $0x38;
	[tilespmem:$0x6E60] =	vst v63  }
0xa: {  	v0 =	vimm.f32 $2.000000000e+00;
	s9 =	simm.s32 $0x1400;
	s19 =	sadd.s32 $0x1000, s4  }
0xb: {  	(erf) = vrcp.f32 v0;
	[tilespmem:s9], [sflag:$0x1] =	stream.linear.gather [hbm4b:s19+s7], $0x1388, $0x38;
	[tilespmem:$0x6E60] =	vst v63  }
0xc: {  	s21 =	simm.s32 $0x2800;
	s20 =	sadd.s32 $0xC00, s4  }
0xd: {  	[tilespmem:s21], [sflag:$0x1] =	stream.linear.gather [hbm4b:s20+s7], $0x1388, $0x38;
	[tilespmem:$0x6E60] =	vst v63  }
0xe: {  	s23 =	simm.s32 $0x3C00;
	s22 =	sadd.s32 $0x800, s4;
	s4 =	stileid.u32  }
0xf: {  	[tilespmem:s23], [sflag:$0x1] =	stream.linear.gather [hbm4b:s22+s7], $0x1388, $0x38;
	[tilespmem:$0x6E60] =	vst v63  }
0x10: {  	s24 =	simm.s32 $0x5000;
	p0 =	seq.s32 s4, $0xF  }
0x11: {  	[tilespmem:s24], [sflag:$0x1] =	stream.linear.gather [hbm4b:s5+s7], $0x1388, $0x38;
	[tilespmem:$0x6E60] =	vst v63  }
0x12: {  	s8 =	simm.s32 @p0 $0x6400;
	s5 =	sadd.s32 @p0 $0x258, s6;
	s7 =	simm.s32 @p0 $0x0  }
0x13: {  	[tilespmem:s8], [sflag:$0x1] =	stream.linear.gather @p0 [hbm4b:s5+s7], $0xC8, $0x38;
	[tilespmem:$0x6E60] =	vst v63  }
0x14: {  	v0 =	vpop (erf);
	s7 =	simm.s32 @p0 $0x1  }
0x15: {  	s5 =	smul.u32 $0x140, s4;
	_ =	swait.ge @p0 [sflag:s7], $0xC8  }
0x16: {  	[sflag:s7] =	ssyncset.done @p0 $0x0  }
0x17: {  	[sflag:s7] =	ssyncadd.s32 @p0 $0xFFFFFF38;
	s7 =	sshrl.u32 @!p0 s5, $0x3  }
0x18: {  	s8 =	simm.s32 @!p0 $0x6400;
	s6 =	sadd.s32 @!p0 s6, s7;
	s7 =	simm.s32 @!p0 $0x0  }
0x19: {  	[tilespmem:s8], [sflag:$0x1] =	stream.linear.gather @!p0 [hbm4b:s6+s7], $0x140, $0x38;
	[tilespmem:$0x6E60] =	vst v63  }
0x1a: {  	s6 =	simm.s32 @!p0 $0x1  }
0x1b: {  	_ =	swait.ge @!p0 [sflag:s6], $0x140  }
0x1c: {  	[sflag:s6] =	ssyncset.done @!p0 $0x0  }
0x1d: {  	s25 =	simm.s32 $0x1;
	[sflag:s6] =	ssyncadd.s32 @!p0 $0xFFFFFEC0  }
0x1e: {  	_ =	swait.ge [sflag:s25], $0x1388  }
0x1f: {  	[sflag:s25] =	ssyncset.done $0x0  }
0x20: {  	[sflag:s25] =	ssyncadd.s32 $0xFFFFEC78  }
0x21: {  	_ =	swait.ge [sflag:s25], $0x1388  }
0x22: {  	[sflag:s25] =	ssyncset.done $0x0  }
0x23: {  	[sflag:s25] =	ssyncadd.s32 $0xFFFFEC78  }
0x24: {  	s26 =	smul.u32 $0x500, s4;
	_ =	swait.ge [sflag:s25], $0x1388  }
0x25: {  	[sflag:s25] =	ssyncset.done $0x0  }
0x26: {  	s7 =	sshrl.u32 s26, $0x2;
	[sflag:s25] =	ssyncadd.s32 $0xFFFFEC78  }
0x27: {  	s28 =	sadd.s32 $0x5010, s7;
	_ =	swait.ge [sflag:s25], $0x1388  }
0x28: {  	s29 =	sadd.s32 $0x2810, s7;
	v1 =	vmov s28;
	[sflag:s25] =	ssyncset.done $0x0  }
0x29: {  	s30 =	sadd.s32 $0x3C10, s7;
	v2 =	vmov s29;
	[sflag:s25] =	ssyncadd.s32 $0xFFFFEC78  }
0x2a: {  	s31 =	sor.u32 $0x10, s7;
	v3 =	vmov s30;
	_ =	swait.ge [sflag:s25], $0x1388  }
0x2b: {  	s7 =	sadd.s32 $0x1410, s7;
	v4 =	vmov s31;
	[sflag:s25] =	ssyncset.done $0x0  }
0x2c: {  	s13 =	simm.s32 $0x0;
	v5 =	vmov s7;
	[sflag:s25] =	ssyncadd.s32 $0xFFFFEC78  }
0x2d: {  	v6 =	vld.idx.msk [tilespmem:v1+s13+$0xFFFFFFF0 ss:$0x1], $0xffff  }
0x2e: {  	v7 =	vld.idx.msk [tilespmem:v2+s13+$0xFFFFFFF0 ss:$0x1], $0xffff  }
0x2f: {  	v8 =	vld.idx.msk [tilespmem:v3+s13+$0xFFFFFFF0 ss:$0x1], $0xffff  }
0x30: {  	v9 =	vld.idx.msk [tilespmem:v4+s13+$0xFFFFFFF0 ss:$0x1], $0xffff  }
0x31: {  	v10 =	vld.idx.msk [tilespmem:v5+s13+$0xFFFFFFF0 ss:$0x1], $0xffff;
	_ =	sdelay $0x1  }
0x32: {  	v7 =	vmul.f32 v7, v0  }
0x33: {  	v8 =	vmul.f32 v8, v0  }
0x34: {  	v11 =	vcvt.s32.f32 v6;
	v12 =	vsub.f32 v9, v7;
	v7 =	vadd.f32 v7, v9  }
0x35: {  	v9 =	vsub.f32 v10, v8;
	v8 =	vadd.f32 v8, v10  }
0x36: {  	v6 =	vlaneseq.u32;
	v10 =	vmul.f32 $4.180000000e+02, v11;
	v11 =	vmax.f32 v12, $0.0e+00  }
0x37: {  	v12 =	vld [tilespmem:s13+$0x6400];
	v7 =	vmax.f32 v7, $0.0e+00;
	v9 =	vmax.f32 v9, $0.0e+00;
	v8 =	vmax.f32 v8, $0.0e+00  }
0x38: {  	v11 =	vmin.f32 v11, $4.160000000e+02;
	v9 =	vmin.f32 v9, $4.160000000e+02;
	v8 =	vmin.f32 v8, $4.160000000e+02  }
0x39: {  	v7 =	vmin.f32 v7, $4.160000000e+02;
	v9 =	vadd.f32 v9, v10;
	v8 =	vadd.f32 v8, v10  }
0x3a: {  	v13 =	vor.u32 s5, v6;
	v11 =	vadd.f32 v10, v11;
	v7 =	vadd.f32 v10, v7  }
0x3b: {  	vm0 =	vlt.u32 v13, $0x1388  }
0x3c: {  	v14 =	vsub.f32 v7, v11;
	v10 =	vnsel vm0, $0xBF800000, v12;
	v12 =	vsub.f32 v8, v9  }
0x3d: {  	[tilespmem:s13+$0x6680] =	vst v9  }
0x3e: {  	[tilespmem:s13+$0x67C0] =	vst v7;
	v9 =	vadd.f32 $1.000000000e+00, v12;
	v12 =	vadd.f32 $1.000000000e+00, v14  }
0x3f: {  	[tilespmem:s13+$0x6540] =	vst v11  }
0x40: {  	[tilespmem:s13+$0x6900] =	vst v8;
	v7 =	vmul.f32 v9, v12  }
0x41: {  	[tilespmem:s13+$0x6400] =	vst v10  }
0x42: {  	v14 =	vld [tilespmem:s13+$0x6410];
	[tilespmem:s13+$0x6A40] =	vst v7  }
0x43: {  	v7 =	vld.idx.msk [tilespmem:v1+s13+$0x0 ss:$0x1], $0xffff  }
0x44: {  	v8 =	vld.idx.msk [tilespmem:v3+s13+$0x0 ss:$0x1], $0xffff  }
0x45: {  	v9 =	vld.idx.msk [tilespmem:v2+s13+$0x0 ss:$0x1], $0xffff  }
0x46: {  	v11 =	vld.idx.msk [tilespmem:v5+s13+$0x0 ss:$0x1], $0xffff  }
0x47: {  	s6 =	sadd.s32 $0x10, s5;
	v12 =	vld.idx.msk [tilespmem:v4+s13+$0x0 ss:$0x1], $0xffff  }
0x48: {  	v15 =	vimm.f32 $-2.000000000e+00;
	v16 =	vor.u32 s6, v6  }
0x49: {  	vm1 =	vlt.u32 v16, $0x1388;
	vm0 =	vgt.f32 v10, v15;
	v8 =	vmul.f32 v8, v0  }
0x4a: {  	v15 =	vsel vm0, v10, v15;
	v14 =	vnsel vm1, $0xBF800000, v14;
	v9 =	vmul.f32 v9, v0  }
0x4b: {  	v7 =	vcvt.s32.f32 v7;
	v10 =	vsub.f32 v11, v8;
	v8 =	vadd.f32 v8, v11  }
0x4c: {  	vm1 =	vgt.f32 v14, v15;
	v11 =	vsub.f32 v12, v9;
	v9 =	vadd.f32 v9, v12  }
0x4d: {  	v12 =	vimm.s32 $0x0;
	v17 =	vmul.f32 $4.180000000e+02, v7;
	v7 =	vmax.f32 v10, $0.0e+00  }
0x4e: {  	v10 =	vmax.f32 v11, $0.0e+00;
	v9 =	vmax.f32 v9, $0.0e+00;
	v7 =	vmin.f32 v7, $4.160000000e+02  }
0x4f: {  	v10 =	vmin.f32 v10, $4.160000000e+02;
	v11 =	vadd.f32 v7, v17;
	v7 =	vmin.f32 v9, $4.160000000e+02  }
0x50: {  	[tilespmem:s13+$0x6410] =	vst v14;
	v8 =	vmax.f32 v8, $0.0e+00;
	v18 =	vadd.f32 v17, v10;
	v10 =	vadd.f32 v17, v7  }
0x51: {  	v9 =	vsel vm0, v13, v12;
	v12 =	vmin.f32 v8, $4.160000000e+02;
	v7 =	vsel vm1, v14, v15;
	[tilespmem:s13+$0x6690] =	vst v11  }
0x52: {  	s9 =	smov.u32 s5;
	s8 =	sshll.u32 s4, $0x7;
	s7 =	simm.s32 $0x80;
	v8 =	vsel vm1, v16, v9;
	v9 =	vadd.f32 v12, v17;
	[tilespmem:s13+$0x6550] =	vst v18;
	v12 =	vsub.f32 v10, v18  }
.LBB2_1:
0x53: {  	p0 =	sne.s32 s7, $0x480  }
0x54: {  	[tilespmem:s13+$0x67D0] =	vst v10;
	v10 =	vsub.f32 v9, v11;
	s9 =	sadd.s32 $0x20, s9;
	s10 =	smov.u32 s7;
	s7 =	sadd.s32 $0x80, s7  }
0x55: {  	v11 =	vadd.f32 $1.000000000e+00, v12  }
0x56: {  	v10 =	vadd.f32 $1.000000000e+00, v10;
	_ =	sdelay $0x1  }
0x57: {  	v10 =	vmul.f32 v10, v11  }
0x58: {  	[tilespmem:s13+$0x6910] =	vst v9  }
0x59: {  	[tilespmem:s13+$0x6A50] =	vst v10;
	s13 =	sshra.s32 s10, $0x2  }
0x5a: {  	v9 =	vld.idx.msk [tilespmem:v1+s13+$0xFFFFFFF0 ss:$0x1], $0xffff  }
0x5b: {  	v10 =	vld.idx.msk [tilespmem:v2+s13+$0xFFFFFFF0 ss:$0x1], $0xffff  }
0x5c: {  	v11 =	vld.idx.msk [tilespmem:v3+s13+$0xFFFFFFF0 ss:$0x1], $0xffff  }
0x5d: {  	v12 =	vld.idx.msk [tilespmem:v4+s13+$0xFFFFFFF0 ss:$0x1], $0xffff  }
0x5e: {  	v13 =	vld.idx.msk [tilespmem:v5+s13+$0xFFFFFFF0 ss:$0x1], $0xffff  }
0x5f: {  	v14 =	vld [tilespmem:s13+$0x6400]  }
0x60: {  	v9 =	vcvt.s32.f32 v9  }
0x61: {  	v10 =	vmul.f32 v10, v0  }
0x62: {  	v15 =	vor.u32 s9, v6;
	v11 =	vmul.f32 v11, v0  }
0x63: {  	vm0 =	vlt.u32 v15, $0x1388;
	v16 =	vsub.f32 v12, v10;
	v10 =	vadd.f32 v10, v12  }
0x64: {  	v12 =	vsub.f32 v13, v11;
	v11 =	vadd.f32 v11, v13;
	v13 =	vnsel vm0, $0xBF800000, v14  }
0x65: {  	v9 =	vmul.f32 $4.180000000e+02, v9;
	v14 =	vmax.f32 v16, $0.0e+00;
	v10 =	vmax.f32 v10, $0.0e+00;
	[tilespmem:s13+$0x6400] =	vst v13  }
0x66: {  	v14 =	vmin.f32 v14, $4.160000000e+02;
	v12 =	vmax.f32 v12, $0.0e+00;
	v11 =	vmax.f32 v11, $0.0e+00  }
0x67: {  	v10 =	vmin.f32 v10, $4.160000000e+02;
	v12 =	vmin.f32 v12, $4.160000000e+02;
	v11 =	vmin.f32 v11, $4.160000000e+02  }
0x68: {  	vm0 =	vgt.f32 v13, v7;
	v12 =	vadd.f32 v12, v9;
	v11 =	vadd.f32 v11, v9  }
0x69: {  	v14 =	vadd.f32 v9, v14;
	v8 =	vsel vm0, v15, v8;
	v9 =	vadd.f32 v9, v10  }
0x6a: {  	v10 =	vsub.f32 v11, v12;
	[tilespmem:s13+$0x6680] =	vst v12  }
0x6b: {  	[tilespmem:s13+$0x67C0] =	vst v9;
	v9 =	vsub.f32 v9, v14  }
0x6c: {  	v10 =	vadd.f32 $1.000000000e+00, v10;
	[tilespmem:s13+$0x6540] =	vst v14  }
0x6d: {  	[tilespmem:s13+$0x6900] =	vst v11;
	v9 =	vadd.f32 $1.000000000e+00, v9;
	_ =	sdelay $0x1  }
0x6e: {  	v9 =	vmul.f32 v10, v9;
	_ =	sdelay $0x1  }
0x6f: {  	[tilespmem:s13+$0x6A40] =	vst v9;
	v9 =	vld [tilespmem:s13+$0x6410]  }
0x70: {  	v10 =	vld.idx.msk [tilespmem:v1+s13+$0x0 ss:$0x1], $0xffff  }
0x71: {  	s10 =	sadd.s32 $0x10, s9;
	v11 =	vld.idx.msk [tilespmem:v3+s13+$0x0 ss:$0x1], $0xffff  }
0x72: {  	v12 =	vor.u32 s10, v6;
	v14 =	vld.idx.msk [tilespmem:v2+s13+$0x0 ss:$0x1], $0xffff  }
0x73: {  	vm1 =	vlt.u32 v12, $0x1388;
	v15 =	vld.idx.msk [tilespmem:v5+s13+$0x0 ss:$0x1], $0xffff  }
0x74: {  	v7 =	vsel vm0, v13, v7;
	v13 =	vld.idx.msk [tilespmem:v4+s13+$0x0 ss:$0x1], $0xffff;
	v9 =	vnsel vm1, $0xBF800000, v9  }
0x75: {  	[tilespmem:s13+$0x6410] =	vst v9;
	vm0 =	vgt.f32 v9, v7  }
0x76: {  	v10 =	vcvt.s32.f32 v10;
	v7 =	vsel vm0, v9, v7;
	v8 =	vsel vm0, v12, v8  }
0x77: {  	v9 =	vmul.f32 v11, v0  }
0x78: {  	v11 =	vmul.f32 v14, v0  }
0x79: {  	v12 =	vsub.f32 v15, v9;
	v9 =	vadd.f32 v9, v15  }
0x7a: {  	v14 =	vsub.f32 v13, v11;
	v11 =	vadd.f32 v11, v13  }
0x7b: {  	v13 =	vmul.f32 $4.180000000e+02, v10;
	v10 =	vmax.f32 v12, $0.0e+00;
	v9 =	vmax.f32 v9, $0.0e+00  }
.Ltmp0:
0x7c: {  	v12 =	vmax.f32 v14, $0.0e+00;
	v10 =	vmin.f32 v10, $4.160000000e+02;
	v14 =	vmax.f32 v11, $0.0e+00;
	(pc) =	sbr.rel @p0 .LBB2_1-.Ltmp0, $4  }
0x7d: {  	v12 =	vmin.f32 v12, $4.160000000e+02;
	v11 =	vadd.f32 v10, v13;
	v10 =	vmin.f32 v14, $4.160000000e+02  }
0x7e: {  	v9 =	vmin.f32 v9, $4.160000000e+02;
	v12 =	vadd.f32 v13, v12;
	v10 =	vadd.f32 v13, v10  }
0x7f: {  	v9 =	vadd.f32 v9, v13;
	[tilespmem:s13+$0x6690] =	vst v11  }
0x80: {  	[tilespmem:s13+$0x6550] =	vst v12;
	v12 =	vsub.f32 v10, v12  }
0x81: {  	v1 =	vimm.s32 $0xEFCDAB89  }
0x82: {  	v2 =	vimm.s32 $0x67452301;
	v3 =	vsub.f32 v9, v11;
	v4 =	vimm.s32 $0x54761032  }
0x83: {  	v5 =	vimm.s32 $0xBA98FEDC;
	v6 =	vimm.s32 $0x32107654;
	v11 =	vimm.s32 $0xFEDCBA98  }
0x84: {  	v13 =	vimm.s32 $0x76543210;
	v1 =	vunpack.c.l.s4.s8 v1;
	v2 =	vunpack.c.l.s4.s8 v2  }
0x85: {  	vm0 =	vmmov $0x1;
	vm1 =	vcmask $0x318;
	vm2 =	vcmask $0x718  }
0x86: {  	vm3 =	vcmask $0xB18;
	v1 =	vunpack.c.0.s8.s32 v1;
	v2 =	vunpack.c.0.s8.s32 v2  }
0x87: {  	v4 =	vunpack.c.l.s4.s8 v4;
	v5 =	vunpack.c.l.s4.s8 v5;
	v6 =	vunpack.c.l.s4.s8 v6  }
0x88: {  	v11 =	vunpack.c.l.s4.s8 v11;
	v2 =	vcombine.low v2, v1;
	v1 =	vimm.s32 $0xDCFE98BA  }
0x89: {  	v13 =	vunpack.c.l.s4.s8 v13;
	v12 =	vadd.f32 $1.000000000e+00, v12;
	v1 =	vunpack.c.l.s4.s8 v1  }
0x8a: {  	v3 =	vadd.f32 $1.000000000e+00, v3;
	v5 =	vunpack.c.0.s8.s32 v5;
	v6 =	vunpack.c.0.s8.s32 v6  }
0x8b: {  	v4 =	vunpack.c.0.s8.s32 v4;
	v11 =	vunpack.c.0.s8.s32 v11;
	v1 =	vunpack.c.0.s8.s32 v1  }
0x8c: {  	vm4 =	vcmask $0xF18;
	v13 =	vunpack.c.0.s8.s32 v13;
	v5 =	vcombine.low v6, v5  }
0x8d: {  	[tilespmem:s13+$0x67D0] =	vst v10;
	s7 =	simm.s32 $0x0;
	s8 =	sshrl.u32 s8, $0x2;
	s9 =	simm.s32 $0x6B80;
	v6 =	vmul.f32 v3, v12;
	v4 =	vcombine.low v4, v1;
	v1 =	vand.u32 $0xF, v11  }
0x8e: {  	[tilespmem:s13+$0x6910] =	vst v9;
	s10 =	simm.s32 $0x2;
	s11 =	simm.s32 $0x6BA0;
	s12 =	simm.s32 $0x1400;
	vm5 =	vcmask $0x1318;
	v2 =	vand.u32 $0xF, v2;
	v1 =	vcombine.low v1, v13  }
0x8f: {  	s14 =	simm.s32 $0x3C00;
	s15 =	simm.s32 $0x5000;
	[tilespmem:s13+$0x6A50] =	vst v6;
	s13 =	simm.s32 $0x2800;
	v3 =	vand.u32 $0xF, v4;
	v4 =	vand.u32 $0xF, v5;
	v5 =	vlaneseq.u32  }
.LBB2_3:
0x90: {  	s16 =	sand.u32 $0x1, s7  }
0x91: {  	p0 =	seq.s32 s16, $0x1;
	s16 =	smov.u32 s2  }
0x92: {  	[tilespmem:$0x6B80] =	vst v7;
	s16 =	smov.u32 @p0 s3  }
0x93: {  	[tilespmem:$0x6B90] =	vst v8;
	s17 =	sadd.s32 s8, s16  }
0x94: {  	[spmem:s17] =	stream.linear.scatter [tilespmem:s9], [sflag:$0x2], $0x20, $0x38;
	[tilespmem:$0x6E60] =	vst v63  }
0x95: {  	_ =	swait.ge [sflag:s10], $0x20  }
0x96: {  	[sflag:s10] =	ssyncset.done $0x0  }
0x97: {  	[sflag:s10] =	ssyncadd.s32 $0xFFFFFFE0  }
0x98: {  	[bflag:$0x0] =	sbarrier.arrive $0xFFFF  }
0x99: {  	[tilespmem:s11], [sflag:$0x2] =	stream.linear.gather [spmem:s16], $0x200, $0x38;
	[tilespmem:$0x6E60] =	vst v63  }
0x9a: {  	_ =	swait.ge [sflag:s10], $0x200  }
0x9b: {  	[sflag:s10] =	ssyncset.done $0x0  }
0x9c: {  	[sflag:s10] =	ssyncadd.s32 $0xFFFFFE00  }
0x9d: {  	v6 =	vld [tilespmem:$0x6BA0]  }
0x9e: {  	s31 =	simm.s32 $0x0;
	v7 =	vld [tilespmem:$0x6BB0]  }
0x9f: {  	v8 =	vld [tilespmem:s31+$0x6BC0]  }
0xa0: {  	v9 =	vld [tilespmem:s31+$0x6BD0];
	_ =	sdelay $0x1  }
0xa1: {  	s16 =	simm.s32 $0x80  }
.LBB2_4:
0xa2: {  	p0 =	sne.s32 s16, $0x700  }
.Ltmp1:
0xa3: {  	s17 =	sshra.s32 s16, $0x2;
	v10 =	vmov v8;
	(pc) =	sbr.rel @p0 .LBB2_4-.Ltmp1, $4  }
0xa4: {  	s16 =	sadd.s32 $0x80, s16;
	v8 =	vld [tilespmem:s17+$0x6BC0];
	vm6 =	veq.f32 v10, v6;
	vm7 =	vlt.s32 v9, v7;
	v11 =	vmov v9  }
0xa5: {  	vm8 =	vgt.f32 v10, v6;
	v9 =	vld [tilespmem:s17+$0x6BD0];
	vm6 =	vmand vm6, vm7  }
0xa6: {  	vm6 =	vmor vm8, vm6  }
0xa7: {  	v6 =	vsel vm6, v10, v6;
	v7 =	vsel vm6, v11, v7  }
0xa8: {  	_ =	sdelay $0x1  }
0xa9: {  	vm6 =	veq.f32 v8, v6;
	vm7 =	vlt.s32 v9, v7  }
0xaa: {  	vm8 =	vgt.f32 v8, v6;
	vm6 =	vmand vm6, vm7  }
0xab: {  	vm6 =	vmor vm8, vm6  }
0xac: {  	v6 =	vsel vm6, v8, v6;
	v7 =	vsel vm6, v9, v7  }
0xad: {  	v8 =	vperm.xlane v6, v2;
	v9 =	vperm.xlane v7, v2;
	_ =	sdelay $0x1  }
0xae: {  	vm6 =	veq.f32 v8, v6;
	vm7 =	vlt.s32 v9, v7  }
0xaf: {  	vm8 =	vgt.f32 v8, v6;
	vm6 =	vmand vm6, vm7  }
0xb0: {  	vm6 =	vmor vm8, vm6  }
0xb1: {  	v6 =	vsel vm6, v8, v6;
	v7 =	vsel vm6, v9, v7  }
0xb2: {  	v8 =	vperm.xlane v6, v3;
	v9 =	vperm.xlane v7, v3;
	_ =	sdelay $0x1  }
0xb3: {  	vm6 =	veq.f32 v8, v6;
	vm7 =	vlt.s32 v9, v7  }
0xb4: {  	vm8 =	vgt.f32 v8, v6;
	vm6 =	vmand vm6, vm7  }
0xb5: {  	vm6 =	vmor vm8, vm6  }
0xb6: {  	v6 =	vsel vm6, v8, v6;
	v7 =	vsel vm6, v9, v7  }
0xb7: {  	v8 =	vperm.xlane v6, v4;
	v9 =	vperm.xlane v7, v4;
	_ =	sdelay $0x1  }
0xb8: {  	vm6 =	veq.f32 v8, v6;
	vm7 =	vlt.s32 v9, v7  }
0xb9: {  	vm8 =	vgt.f32 v8, v6;
	vm6 =	vmand vm6, vm7  }
0xba: {  	vm6 =	vmor vm8, vm6  }
0xbb: {  	v6 =	vsel vm6, v8, v6;
	v7 =	vsel vm6, v9, v7  }
0xbc: {  	v8 =	vperm.xlane v6, v1;
	v9 =	vperm.xlane v7, v1;
	_ =	sdelay $0x1  }
0xbd: {  	vm6 =	veq.f32 v8, v6;
	vm7 =	vlt.s32 v9, v7  }
0xbe: {  	vm8 =	vgt.f32 v8, v6;
	vm6 =	vmand vm6, vm7  }
0xbf: {  	vm6 =	vmor vm8, vm6  }
0xc0: {  	v7 =	vsel vm6, v9, v7  }
0xc1: {  	vm7 =	vlt.s32 v7, $0x1387  }
0xc2: {  	v7 =	vnsel vm7, $0x1387, v7;
	_ =	sdelay $0x4  }
0xc3: {  	v9 =	vld.idx.msk [tilespmem:v7+s13+$0x0], $0xffff  }
0xc4: {  	s16 =	simm.s32 $0x0;
	v10 =	vld.idx.msk [tilespmem:v7+s14+$0x0], $0xffff  }
0xc5: {  	v11 =	vld.idx.msk [tilespmem:v7+s16+$0x0], $0xffff  }
0xc6: {  	v12 =	vld.idx.msk [tilespmem:v7+s12+$0x0], $0xffff;
	_ =	sdelay $0x1  }
0xc7: {  	v9 =	vmul.f32 v9, v0  }
0xc8: {  	v10 =	vmul.f32 v10, v0  }
0xc9: {  	v13 =	vsub.f32 v11, v9  }
0xca: {  	v14 =	vsub.f32 v12, v10  }
0xcb: {  	v7 =	vld.idx.msk [tilespmem:v7+s15+$0x0], $0xffff;
	v9 =	vadd.f32 v9, v11;
	v13 =	vmax.f32 v13, $0.0e+00  }
0xcc: {  	v10 =	vadd.f32 v10, v12;
	v11 =	vmin.f32 v13, $4.160000000e+02;
	v13 =	vmax.f32 v14, $0.0e+00  }
0xcd: {  	v9 =	vmax.f32 v9, $0.0e+00;
	v12 =	vmin.f32 v13, $4.160000000e+02;
	v13 =	vnsel vm0, $0x0, v11  }
0xce: {  	v10 =	vmax.f32 v10, $0.0e+00;
	v9 =	vmin.f32 v9, $4.160000000e+02;
	v13 =	vsel vm1, v13, v12  }
0xcf: {  	v14 =	vmin.f32 v10, $4.160000000e+02;
	v10 =	vsel vm2, v13, v9  }
0xd0: {  	v6 =	vsel vm6, v8, v6;
	v7 =	vcvt.s32.f32 v7;
	v8 =	vsel vm3, v10, v14  }
0xd1: {  	s31 =	sshll.u32 s7, $0x4;
	v6 =	vsel vm4, v8, v6  }
0xd2: {  	s16 =	sand.u32 $0x3FFFFFF0, s31;
	v6 =	vsel vm5, v6, v7  }
0xd3: {  	s18 =	simm.s32 $0x0;
	[tilespmem:s16+$0x6DA0] =	vst v6  }
0xd4: {  	v13 =	vld [tilespmem:s18+$0x6550]  }
0xd5: {  	v15 =	vld [tilespmem:s18+$0x6690]  }
0xd6: {  	v6 =	vmul.f32 $4.180000000e+02, v7;
	v16 =	vld [tilespmem:s18+$0x67D0]  }
0xd7: {  	v17 =	vld [tilespmem:s18+$0x6540]  }
0xd8: {  	v10 =	vadd.f32 v6, v11;
	v8 =	vadd.f32 v12, v6;
	v11 =	vld [tilespmem:s18+$0x6680]  }
0xd9: {  	v7 =	vadd.f32 v6, v9;
	v6 =	vadd.f32 v14, v6;
	v9 =	vld [tilespmem:s18+$0x67C0]  }
0xda: {  	v12 =	vld [tilespmem:s18+$0x6900]  }
0xdb: {  	v19 =	vld [tilespmem:s18+$0x6910];
	v14 =	vsub.f32 v7, v10;
	v18 =	vsub.f32 v6, v8;
	_ =	sdelay $0x1  }
0xdc: {  	v14 =	vadd.f32 $1.000000000e+00, v14;
	v18 =	vadd.f32 $1.000000000e+00, v18;
	v13 =	vmax.f32 v10, v13  }
0xdd: {  	v15 =	vmax.f32 v8, v15;
	v17 =	vmax.f32 v10, v17;
	v16 =	vmin.f32 v7, v16  }
0xde: {  	s16 =	simm.s32 $0x20;
	v20 =	vld [tilespmem:s18+$0x6A40];
	v11 =	vmax.f32 v8, v11;
	v9 =	vmin.f32 v7, v9;
	v12 =	vmin.f32 v6, v12  }
0xdf: {  	v23 =	vld [tilespmem:s16+$0x6A40];
	v9 =	vsub.f32 v9, v17;
	v11 =	vsub.f32 v12, v11;
	v12 =	vmin.f32 v6, v19  }
0xe0: {  	v13 =	vsub.f32 v16, v13;
	v17 =	vld [tilespmem:s18+$0x6A50];
	v12 =	vsub.f32 v12, v15  }
0xe1: {  	v19 =	vld [tilespmem:s16+$0x6540];
	v16 =	vadd.f32 $1.000000000e+00, v9;
	v11 =	vadd.f32 $1.000000000e+00, v11  }
0xe2: {  	v15 =	vld [tilespmem:s16+$0x6550];
	v13 =	vadd.f32 $1.000000000e+00, v13;
	v9 =	vmul.f32 v18, v14  }
0xe3: {  	v14 =	vld [tilespmem:s16+$0x6690];
	v12 =	vadd.f32 $1.000000000e+00, v12;
	v16 =	vmax.f32 v16, $0.0e+00;
	v11 =	vmax.f32 v11, $0.0e+00  }
0xe4: {  	v18 =	vld [tilespmem:s16+$0x67D0];
	v20 =	vadd.f32 v20, v9;
	v21 =	vmul.f32 v11, v16  }
0xe5: {  	v16 =	vld [tilespmem:s16+$0x6680];
	v11 =	vmax.f32 v13, $0.0e+00;
	v12 =	vmax.f32 v12, $0.0e+00  }
0xe6: {  	v13 =	vld [tilespmem:s16+$0x67C0];
	v28 =	vmul.f32 v12, v11;
	v11 =	vadd.f32 v17, v9;
	v12 =	vsub.f32 v20, v21  }
0xe7: {  	v17 =	vld [tilespmem:s16+$0x6900]  }
0xe8: {  	v22 =	vld [tilespmem:s16+$0x6910];
	v20 =	vsub.f32 v11, v28;
	v12 =	vadd.f32 $1.000000020e-16, v12  }
0xe9: {  	v29 =	vadd.f32 v23, v9;
	v15 =	vmax.f32 v10, v15;
	v14 =	vmax.f32 v8, v14  }
0xea: {  	v18 =	vmin.f32 v7, v18;
	v20 =	vadd.f32 $1.000000020e-16, v20;
	(erf) = vrcp.f32 v12  }
0xeb: {  	v15 =	vsub.f32 v18, v15;
	v16 =	vmax.f32 v8, v16;
	v13 =	vmin.f32 v7, v13  }
0xec: {  	s17 =	simm.s32 $0x40;
	v12 =	vmax.f32 v10, v19;
	v19 =	vld [tilespmem:s16+$0x6A50];
	v17 =	vmin.f32 v6, v17;
	(erf) = vrcp.f32 v20  }
0xed: {  	v24 =	vld [tilespmem:s17+$0x6550];
	v13 =	vsub.f32 v13, v12;
	v16 =	vsub.f32 v17, v16;
	v17 =	vmin.f32 v6, v22  }
0xee: {  	v26 =	vld [tilespmem:s17+$0x67D0];
	v15 =	vadd.f32 $1.000000000e+00, v15;
	v14 =	vsub.f32 v17, v14  }
0xef: {  	v25 =	vld [tilespmem:s17+$0x6690];
	v11 =	vimm.f32 $-2.000000000e+00;
	v17 =	vadd.f32 $1.000000000e+00, v13;
	v18 =	vadd.f32 $1.000000000e+00, v16  }
0xf0: {  	v27 =	vld [tilespmem:s17+$0x6540];
	v12 =	vimm.s32 $0x0;
	v15 =	vmax.f32 v15, $0.0e+00;
	v22 =	vadd.f32 $1.000000000e+00, v14  }
0xf1: {  	v23 =	vld [tilespmem:s18+$0x6400];
	v14 =	vmax.f32 v17, $0.0e+00;
	v17 =	vmax.f32 v18, $0.0e+00;
	v31 =	vadd.f32 v19, v9  }
0xf2: {  	v20 =	vld [tilespmem:s17+$0x6680];
	v16 =	vor.u32 s5, v5;
	v14 =	vmul.f32 v17, v14;
	v18 =	vmax.f32 v22, $0.0e+00  }
0xf3: {  	v13 =	vor.u32 s6, v5;
	v19 =	vmin.f32 v7, v26;
	v22 =	vld [tilespmem:s17+$0x67C0];
	v15 =	vmul.f32 v18, v15;
	v30 =	vpop (erf)  }
0xf4: {  	v17 =	vmax.f32 v10, v24;
	v24 =	vld [tilespmem:s18+$0x6410];
	v29 =	vsub.f32 v29, v14;
	v30 =	vmul.f32 v30, v21  }
0xf5: {  	v18 =	vmax.f32 v8, v25;
	v25 =	vld [tilespmem:s17+$0x6900];
	v21 =	vmax.f32 v10, v27;
	v27 =	vsub.f32 v31, v15;
	v31 =	vpop (erf)  }
0xf6: {  	s20 =	simm.s32 $0x180;
	s19 =	smov.u32 s5;
	v26 =	vadd.f32 $1.000000020e-16, v29;
	v28 =	vmul.f32 v31, v28;
	vm6 =	vgt.f32 v30, $3.000000120e-01  }
.LBB2_6:
0xf7: {  	p0 =	sne.s32 s20, $0x480;
	v20 =	vmax.f32 v8, v20;
	v29 =	vld [tilespmem:s17+$0x6910];
	v27 =	vadd.f32 $1.000000020e-16, v27;
	v23 =	vsel vm6, $0xBF800000, v23  }
0xf8: {  	(erf) = vrcp.f32 v26;
	[tilespmem:s18+$0x6400] =	vst v23;
	vm6 =	vgt.f32 v23, v11;
	vm7 =	vgt.f32 v28, $3.000000120e-01  }
0xf9: {  	v11 =	vsel vm6, v23, v11;
	v12 =	vsel vm6, v16, v12;
	v16 =	vsel vm7, $0xBF800000, v24  }
0xfa: {  	v22 =	vmin.f32 v7, v22;
	v23 =	vmin.f32 v6, v25;
	v24 =	vld [tilespmem:s17+$0x6A50];
	[tilespmem:s18+$0x6410] =	vst v16;
	vm6 =	vgt.f32 v16, v11;
	s18 =	smov.u32 s16;
	s16 =	smov.u32 s17  }
0xfb: {  	s17 =	sshra.s32 s20, $0x2;
	v25 =	vld [tilespmem:s16+$0x6A40];
	(erf) = vrcp.f32 v27;
	v11 =	vsel vm6, v16, v11;
	v12 =	vsel vm6, v13, v12  }
0xfc: {  	v13 =	vsub.f32 v22, v21;
	v16 =	vsub.f32 v23, v20;
	v26 =	vld [tilespmem:s17+$0x6550];
	v20 =	vmin.f32 v6, v29  }
0xfd: {  	v17 =	vsub.f32 v19, v17;
	s19 =	sadd.s32 $0x20, s19;
	v21 =	vld [tilespmem:s17+$0x6690];
	v18 =	vsub.f32 v20, v18  }
0xfe: {  	s21 =	sadd.s32 $0x10, s19;
	v22 =	vadd.f32 $1.000000000e+00, v13;
	v23 =	vadd.f32 $1.000000000e+00, v16;
	v16 =	vor.u32 s19, v5;
	v19 =	vld [tilespmem:s17+$0x67D0]  }
0xff: {  	v17 =	vadd.f32 $1.000000000e+00, v17;
	v13 =	vor.u32 s21, v5;
	v27 =	vld [tilespmem:s17+$0x6540];
	v18 =	vadd.f32 $1.000000000e+00, v18  }
0x100: {  	v22 =	vmax.f32 v22, $0.0e+00;
	v23 =	vmax.f32 v23, $0.0e+00;
	v20 =	vld [tilespmem:s17+$0x6680];
	v25 =	vadd.f32 v25, v9  }
.Ltmp2:
0x101: {  	v29 =	vmax.f32 v17, $0.0e+00;
	v32 =	vmul.f32 v23, v22;
	v18 =	vmax.f32 v18, $0.0e+00;
	v23 =	vld [tilespmem:s18+$0x6400];
	v30 =	vpop (erf);
	(pc) =	sbr.rel @p0 .LBB2_6-.Ltmp2, $4  }
0x102: {  	v17 =	vmax.f32 v10, v26;
	v26 =	vadd.f32 v24, v9;
	v22 =	vld [tilespmem:s17+$0x67C0];
	v29 =	vmul.f32 v18, v29  }
0x103: {  	v18 =	vmax.f32 v8, v21;
	v31 =	vsub.f32 v25, v32;
	v30 =	vmul.f32 v30, v14;
	v14 =	vmovc v32;
	v24 =	vld [tilespmem:s18+$0x6410]  }
0x104: {  	v19 =	vmin.f32 v7, v19;
	v25 =	vld [tilespmem:s17+$0x6900];
	v21 =	vmax.f32 v10, v27;
	v27 =	vsub.f32 v26, v29;
	v28 =	vpop (erf)  }
0x105: {  	s20 =	sadd.s32 $0x80, s20;
	v26 =	vadd.f32 $1.000000020e-16, v31;
	vm6 =	vgt.f32 v30, $3.000000120e-01;
	v28 =	vmul.f32 v28, v15;
	v15 =	vmovc v29  }
0x106: {  	v10 =	vld [tilespmem:s17+$0x6910]  }
0x107: {  	v23 =	vsel vm6, $0xBF800000, v23;
	vm6 =	vgt.f32 v28, $3.000000120e-01  }
0x108: {  	[tilespmem:s18+$0x6400] =	vst v23;
	v7 =	vmin.f32 v7, v22;
	v53 =	vsel vm6, $0xBF800000, v24  }
0x109: {  	v8 =	vmax.f32 v8, v20;
	v54 =	vld [tilespmem:s17+$0x6A50];
	v7 =	vsub.f32 v7, v21;
	v55 =	vmin.f32 v6, v25;
	[tilespmem:s18+$0x6410] =	vst v53  }
0x10a: {  	v56 =	vld [tilespmem:s17+$0x6A40];
	v8 =	vsub.f32 v55, v8  }
0x10b: {  	v7 =	vadd.f32 $1.000000000e+00, v7;
	v6 =	vmin.f32 v6, v10;
	v10 =	vsub.f32 v19, v17  }
0x10c: {  	v6 =	vsub.f32 v6, v18;
	v8 =	vadd.f32 $1.000000000e+00, v8  }
0x10d: {  	v27 =	vadd.f32 $1.000000020e-16, v27;
	(erf) = vrcp.f32 v26;
	v7 =	vmax.f32 v7, $0.0e+00  }
0x10e: {  	v10 =	vadd.f32 $1.000000000e+00, v10;
	v6 =	vadd.f32 $1.000000000e+00, v6;
	v8 =	vmax.f32 v8, $0.0e+00  }
0x10f: {  	(erf) = vrcp.f32 v27;
	v57 =	vadd.f32 v56, v9;
	v7 =	vmul.f32 v8, v7  }
0x110: {  	v8 =	vmax.f32 v10, $0.0e+00;
	v6 =	vmax.f32 v6, $0.0e+00  }
0x111: {  	v6 =	vmul.f32 v6, v8;
	v8 =	vadd.f32 v54, v9;
	v9 =	vsub.f32 v57, v7;
	_ =	sdelay $0x1  }
0x112: {  	v9 =	vadd.f32 $1.000000020e-16, v9  }
0x113: {  	v8 =	vsub.f32 v8, v6;
	_ =	sdelay $0x1  }
0x114: {  	v10 =	vld [tilespmem:s16+$0x6400];
	v8 =	vadd.f32 $1.000000020e-16, v8;
	(erf) = vrcp.f32 v9  }
0x115: {  	v58 =	vld [tilespmem:s16+$0x6410];
	v9 =	vpop (erf)  }
0x116: {  	(erf) = vrcp.f32 v8;
	v9 =	vmul.f32 v9, v14;
	v59 =	vpop (erf)  }
0x117: {  	v8 =	vmul.f32 v59, v15  }
0x118: {  	vm6 =	vgt.f32 v9, $3.000000120e-01  }
0x119: {  	vm7 =	vgt.f32 v23, v11;
	v9 =	vsel vm6, $0xBF800000, v10;
	vm6 =	vgt.f32 v8, $3.000000120e-01  }
0x11a: {  	v10 =	vsel vm7, v23, v11;
	[tilespmem:s16+$0x6400] =	vst v9;
	v8 =	vsel vm6, $0xBF800000, v58  }
0x11b: {  	v11 =	vsel vm7, v16, v12;
	vm6 =	vgt.f32 v53, v10;
	[tilespmem:s16+$0x6410] =	vst v8  }
0x11c: {  	v11 =	vsel vm6, v13, v11;
	v60 =	vld [tilespmem:s17+$0x6400]  }
0x11d: {  	s30 =	sadd.s32 $0x20, s19;
	v10 =	vsel vm6, v53, v10;
	v61 =	vpop (erf)  }
0x11e: {  	v62 =	vor.u32 s30, v5;
	vm6 =	vgt.f32 v9, v10;
	v63 =	vld [tilespmem:s17+$0x6410];
	v7 =	vmul.f32 v61, v7  }
0x11f: {  	s7 =	sadd.s32 $0x1, s7;
	v9 =	vsel vm6, v9, v10;
	v10 =	vsel vm6, v62, v11;
	v11 =	vpop (erf)  }
0x120: {  	s31 =	sadd.s32 $0x10, s30;
	p0 =	sne.s32 s7, $0x8;
	vm6 =	vgt.f32 v8, v9;
	vm7 =	vgt.f32 v7, $3.000000120e-01;
	v6 =	vmul.f32 v11, v6  }
.Ltmp3:
0x121: {  	v7 =	vor.u32 s31, v5;
	v8 =	vsel vm6, v8, v9;
	v9 =	vsel vm7, $0xBF800000, v60;
	(pc) =	sbr.rel @p0 .LBB2_3-.Ltmp3, $4  }
0x122: {  	s16 =	sadd.s32 $0x20, s30;
	v7 =	vsel vm6, v7, v10;
	vm7 =	vgt.f32 v6, $3.000000120e-01;
	vm6 =	vgt.f32 v9, v8  }
0x123: {  	v6 =	vor.u32 s16, v5;
	s16 =	sadd.s32 $0x10, s16;
	v10 =	vsel vm7, $0xBF800000, v63;
	v8 =	vsel vm6, v9, v8  }
0x124: {  	v11 =	vor.u32 s16, v5;
	[tilespmem:s17+$0x6400] =	vst v9;
	v6 =	vsel vm6, v6, v7;
	vm6 =	vgt.f32 v10, v8  }
0x125: {  	[tilespmem:s17+$0x6410] =	vst v10;
	v7 =	vsel vm6, v10, v8;
	v8 =	vsel vm6, v11, v6  }
0x126: {  	p0 =	sne.s32 s4, $0x0  }
0x127: {  	_ =	sfence.sel @p0 $0x180000  }
0x128: {  	[bflag:$0x0] =	sbarrier.arrive @p0 $0xFFFF  }
0x129: {  	_ =	strace @p0 $0x90000047  }
0x12a: {  	s2 =	simm.s32 @!p0 $0x0;
	s3 =	simm.s32 @!p0 $0x6DA0;
	[bflag:$0x2] =	sbarrier.arrive @p0 $0xFFFF  }
0x12b: {  	[hbm4b:s1+s2] =	stream.linear.scatter @!p0 [tilespmem:s3], [sflag:$0x2], $0x80, $0x38;
	[tilespmem:$0x6E60] =	vst v63  }
0x12c: {  	s1 =	simm.s32 @!p0 $0x2  }
0x12d: {  	_ =	swait.ge @!p0 [sflag:s1], $0x80  }
0x12e: {  	[sflag:s1] =	ssyncset.done @!p0 $0x0  }
0x12f: {  	[sflag:s1] =	ssyncadd.s32 @!p0 $0xFFFFFF80  }
0x130: {  	_ =	sfence.sel @!p0 $0x180000  }
0x131: {  	[bflag:$0x0] =	sbarrier.arrive @!p0 $0xFFFF  }
0x132: {  	_ =	strace @!p0 $0x90000047  }
0x133: {  	s0 =	sadd.s32 @!p0 $0x100000, s0;
	[bflag:$0x2] =	sbarrier.arrive @!p0 $0xFFFF  }
0x134: {  	[sflag:s0] =	ssyncadd.tile.s32 @!p0 $0x1;
	_ =	shalt  }
.Lfunc_end2:
_tile_overlayer_lowered:
.L_overlay_start_2:
0x135: {  	(tag) =	ssettag $0x2  }
0x136: {  	s0 =	rddreg [dreg:$0x0];
	s2 =	stileid.u32  }
0x137: {  	s1 =	rddreg [dreg:$0x1];
	p0 =	sne.s32 s2, $0x0  }
0x138: {  	s3 =	rddreg [dreg:$0x2];
	[bflag:$0x3] =	sbarrier.arrive $0xFFFF;
	s2 =	simm.s32 @!p0 $0x1C02  }
0x139: {  	[timem:s3], [sflag:s2] =	dma.local @!p0 [hbm:s0], s1  }
0x13a: {  	s0 =	simm.s32 @!p0 $0x2  }
0x13b: {  	_ =	swait.ge @!p0 [sflag:s0], s1  }
0x13c: {  	s1 =	ssub.s32 @!p0 $0x0, s1;
	[sflag:s0] =	ssyncset.done @!p0 $0x0  }
0x13d: {  	[sflag:s0] =	ssyncadd.s32 @!p0 s1  }
0x13e: {  	[bflag:$0x3] =	sbarrier.arrive $0xFFFF  }
0x13f: {  	_ =	shalt  }

</sc_bundles>
